<compile_context>
chip_gen: v7x
topology: tpu7x:2x2x1
jax: 0.10.2.dev20260603
libtpu: 0.0.44.dev20260713+nightly
codegen_flags: <defaults>
</compile_context>

<pallas_src>
import functools

import jax
import jax.numpy as jnp
from jax import lax
from jax.experimental import pallas as pl
from jax.experimental.pallas import tpu as pltpu
from jax.experimental.pallas import tpu_sc as plsc

N_NODES = 10000
N_EDGES = 320000
D = 128
DH = 64


def _bdot(a, b):
    return jnp.dot(a.astype(jnp.bfloat16), b.astype(jnp.bfloat16),
                   preferred_element_type=jnp.float32)


def _layer_body(p_ref, w_ref, b_ref, out_ref):
    out_ref[...] = _bdot(p_ref[...], w_ref[...]) + b_ref[0:1, :]


def _final_body(p_ref, w2_ref, b2_ref, w3p_ref, b3_ref, out_ref):
    emb = _bdot(p_ref[...], w2_ref[...]) + b2_ref[0:1, :]
    out_ref[...] = _bdot(emb, w3p_ref[...]) + b3_ref[0:1, :]


def _make_agg_kernel(npad, e_pad, nc, ns, chunk):
    mesh = plsc.VectorSubcoreMesh(core_axis_name="c", subcore_axis_name="s")
    cpt = e_pad // ns
    nchunks = cpt // chunk
    npad2 = npad // nc
    nacc = npad2 + 128
    rpt = nacc // ns
    wpt = npad2 // ns

    @functools.partial(
        pl.kernel,
        out_type=jax.ShapeDtypeStruct((npad, D), jnp.float32),
        mesh=mesh,
        scratch_types=[
            pltpu.VMEM((cpt,), jnp.int32),
            pltpu.VMEM((cpt,), jnp.int32),
            pltpu.VMEM((chunk, D), jnp.float32),
            pltpu.VMEM((chunk, D), jnp.float32),
            pltpu.VMEM_SHARED((nacc, D), jnp.float32),
            pltpu.SemaphoreType.DMA,
            pltpu.SemaphoreType.DMA,
            pltpu.SemaphoreType.DMA,
        ],
    )
    def agg_k(table, zeros, srcp, dstp, out,
              ia, ib, r0, r1, agg_sh, sg0, sg1, ss):
        cid = lax.axis_index("c")
        sid = lax.axis_index("s")
        pltpu.sync_copy(zeros.at[pl.ds(sid * rpt, rpt)],
                        agg_sh.at[pl.ds(sid * rpt, rpt)])
        base = sid * cpt
        pltpu.sync_copy(srcp.at[pl.ds(base, cpt)], ia)
        pltpu.sync_copy(dstp.at[pl.ds(cid * e_pad + base, cpt)], ib)
        plsc.subcore_barrier()

        def body(c2, carry):
            a = 2 * c2 * chunk
            b = a + chunk
            ha = pltpu.async_copy(table.at[ia.at[pl.ds(a, chunk)]], r0, sg0)
            hb = pltpu.async_copy(table.at[ia.at[pl.ds(b, chunk)]], r1, sg1)
            ha.wait()
            hs = pltpu.async_copy(r0, agg_sh.at[ib.at[pl.ds(a, chunk)]], ss,
                                  add=True)
            hb.wait()
            hs.wait()
            pltpu.sync_copy(r1, agg_sh.at[ib.at[pl.ds(b, chunk)]], add=True)
            return carry

        lax.fori_loop(0, nchunks // 2, body, 0)
        plsc.subcore_barrier()
        pltpu.sync_copy(agg_sh.at[pl.ds(sid * wpt, wpt)],
                        out.at[pl.ds(cid * npad2 + sid * wpt, wpt)])

    return agg_k


def _make_link_kernel(npad, e_pad, nc, ns):
    mesh = plsc.VectorSubcoreMesh(core_axis_name="c", subcore_axis_name="s")
    nw = nc * ns
    cpt = e_pad // nw

    @functools.partial(
        pl.kernel,
        out_type=jax.ShapeDtypeStruct((e_pad,), jnp.float32),
        mesh=mesh,
        scratch_types=[
            pltpu.VMEM((cpt,), jnp.int32),
            pltpu.VMEM((cpt,), jnp.int32),
            pltpu.VMEM((cpt,), jnp.float32),
            pltpu.VMEM((cpt,), jnp.float32),
            pltpu.VMEM((cpt,), jnp.float32),
            pltpu.VMEM_SHARED((npad,), jnp.float32),
            pltpu.VMEM_SHARED((npad,), jnp.float32),
            pltpu.SemaphoreType.DMA,
        ],
    )
    def link_k(ssv, stv, srcp, dstp, out, ia, ib, av, bv, ov,
               ss_sh, st_sh, sem):
        cid = lax.axis_index("c")
        sid = lax.axis_index("s")
        wid = sid * nc + cid
        base = wid * cpt

        @pl.when(sid == 0)
        def _():
            pltpu.sync_copy(ssv, ss_sh)
            pltpu.sync_copy(stv, st_sh)

        pltpu.sync_copy(srcp.at[pl.ds(base, cpt)], ia)
        pltpu.sync_copy(dstp.at[pl.ds(base, cpt)], ib)
        plsc.subcore_barrier()
        pltpu.async_copy(ss_sh.at[ia], av, sem).wait()
        pltpu.async_copy(st_sh.at[ib], bv, sem).wait()

        def vec(i, carry):
            a = av[pl.ds(i * 16, 16)]
            b = bv[pl.ds(i * 16, 16)]
            ov[pl.ds(i * 16, 16)] = 1.0 / (1.0 + jnp.exp(-(a + b)))
            return carry

        lax.fori_loop(0, cpt // 16, vec, 0)
        pltpu.sync_copy(ov, out.at[pl.ds(base, cpt)])

    return link_k


def kernel(node_features, edge_index, W1, b1, W2, b2, W3, b3):
    info = plsc.get_sparse_core_info()
    nc, ns = info.num_cores, info.num_subcores
    nw = nc * ns

    chunk = 128
    quant = ns * chunk * 2
    e_pad = ((N_EDGES + quant - 1) // quant) * quant
    npad2 = ((N_NODES + nc - 1) // nc + 127) // 128 * 128
    npad = npad2 * nc

    src = edge_index[0].astype(jnp.int32)
    dst = edge_index[1].astype(jnp.int32)
    pad = jnp.full((e_pad - N_EDGES,), N_NODES, jnp.int32)
    src_p = jnp.concatenate([src, pad])
    dst_p = jnp.concatenate([dst, pad])
    locs = [jnp.where((dst_p >= c * npad2) & (dst_p < (c + 1) * npad2),
                      dst_p - c * npad2, npad2) for c in range(nc)]
    dst_loc = jnp.concatenate(locs)

    xpad = jnp.zeros((npad, D), jnp.float32).at[:N_NODES].set(node_features)
    zeros = jnp.zeros((npad, D), jnp.float32)
    b1r = jnp.zeros((8, D), jnp.float32).at[0].set(b1)
    b2r = jnp.zeros((8, D), jnp.float32).at[0].set(b2)
    w3p = jnp.zeros((D, D), jnp.float32).at[:, 0].set(W3[:D, 0]).at[:, 1].set(W3[D:, 0])
    b3r = jnp.zeros((8, D), jnp.float32).at[0, 0].set(b3[0])

    agg_k = _make_agg_kernel(npad, e_pad, nc, ns, chunk)
    link_k = _make_link_kernel(npad, e_pad, nc, ns)

    layer = pl.pallas_call(
        _layer_body, out_shape=jax.ShapeDtypeStruct((npad, D), jnp.float32))
    final = pl.pallas_call(
        _final_body, out_shape=jax.ShapeDtypeStruct((npad, D), jnp.float32))

    p1 = agg_k(xpad, zeros, src_p, dst_loc)
    hidden = layer(p1, W1, b1r)
    p2 = agg_k(hidden, zeros, src_p, dst_loc)
    st = final(p2, W2, b2r, w3p, b3r)

    out = link_k(st[:, 0], st[:, 1], src_p, dst_p)
    return out[:N_EDGES].reshape(N_EDGES, 1)

# --- scband reference (transcript-rebuilt; emitter-appended) ---
"""Pipeline reference for scband-link-prediction-gnn-85143431676228 (READ-ONLY COPY).

The authoritative reference and input builder live on the scoring server;
editing this copy changes nothing except your own understanding.
"""

import jax, jax.numpy as jnp
import numpy as np

N_NODES = 10000
N_EDGES = 320000
D_FEAT = 128
HIDDEN = 128
OUT = 128


def setup_inputs(seed: int = 0) -> dict:
    key = jax.random.key(seed)
    ks = jax.random.split(key, 8)
    node_features = jax.random.normal(ks[0], (N_NODES, D_FEAT), dtype=jnp.float32)
    edge_index = jax.random.randint(ks[1], (2, N_EDGES), 0, N_NODES, dtype=jnp.int64)
    # Dense layer params (glorot-ish scaling)
    W1 = jax.random.normal(ks[2], (D_FEAT, HIDDEN), dtype=jnp.float32) * (1.0 / np.sqrt(D_FEAT))
    b1 = jnp.zeros((HIDDEN,), dtype=jnp.float32)
    W2 = jax.random.normal(ks[3], (HIDDEN, OUT), dtype=jnp.float32) * (1.0 / np.sqrt(HIDDEN))
    b2 = jnp.zeros((OUT,), dtype=jnp.float32)
    W3 = jax.random.normal(ks[4], (2 * OUT, 1), dtype=jnp.float32) * (1.0 / np.sqrt(2 * OUT))
    b3 = jnp.zeros((1,), dtype=jnp.float32)
    return {
        "node_features": node_features,
        "edge_index": edge_index,
        "W1": W1, "b1": b1,
        "W2": W2, "b2": b2,
        "W3": W3, "b3": b3,
    }


def reference(node_features, edge_index, W1, b1, W2, b2, W3, b3):
    # adjacency sparse-dense matmul == scatter-add of source features into target rows
    src = edge_index[0]
    dst = edge_index[1]

    # GCN layer 1: A @ x, then Dense (linear, no activation — Keras Dense default)
    agg1 = jnp.zeros_like(node_features).at[dst].add(jnp.take(node_features, src, axis=0))
    hidden_rep = agg1 @ W1 + b1

    # GCN layer 2
    agg2 = jnp.zeros((node_features.shape[0], W2.shape[0]), dtype=hidden_rep.dtype).at[dst].add(jnp.take(hidden_rep, src, axis=0))
    node_embeddings = agg2 @ W2 + b2

    # Link prediction: gather endpoint embeddings, concat, sigmoid dense
    source_embeddings = jnp.take(node_embeddings, src, axis=0)
    target_embeddings = jnp.take(node_embeddings, dst, axis=0)
    link_features = jnp.concatenate([source_embeddings, target_embeddings], axis=1)
    return jax.nn.sigmoid(link_features @ W3 + b3)

if __name__ == "__main__":
    import jax
    _d = setup_inputs()
    print(jax.jit(kernel)(*tuple(_d.values())))

</pallas_src>

<mosaic_0001>
#map = affine_map<(d0, d1) -> (0)>
module attributes {stable_mosaic.version = 14 : i64} {
  func.func @link_k(%arg0: i32, %arg1: i32, %arg2: memref<10240xf32, #tpu.memory_space<hbm>>, %arg3: memref<10240xf32, #tpu.memory_space<hbm>>, %arg4: memref<323584xi32, #tpu.memory_space<hbm>>, %arg5: memref<323584xi32, #tpu.memory_space<hbm>>, %arg6: memref<323584xf32, #tpu.memory_space<hbm>>, %arg7: memref<10112xi32, #tpu.memory_space<vmem>>, %arg8: memref<10112xi32, #tpu.memory_space<vmem>>, %arg9: memref<10112xf32, #tpu.memory_space<vmem>>, %arg10: memref<10112xf32, #tpu.memory_space<vmem>>, %arg11: memref<10112xf32, #tpu.memory_space<vmem>>, %arg12: memref<10240xf32, #tpu.memory_space<vmem_shared>>, %arg13: memref<10240xf32, #tpu.memory_space<vmem_shared>>, %arg14: memref<!tpu.dma_semaphore, #tpu.memory_space<semaphore_mem>>) attributes {dimension_semantics = [#tpu.dimension_semantics<core_parallel>, #tpu.dimension_semantics<subcore_parallel>], iteration_bounds = array<i64: 2, 16>, scalar_prefetch = 0 : i64, scratch_operands = 8 : i64, tpu.core_type = #tpu.core_type<sc_vector_subcore>, window_params = [{transform_indices = #map}, {transform_indices = #map}, {transform_indices = #map}, {transform_indices = #map}, {transform_indices = #map}]} {
    %mul3A = arith.constant 2 : i32
    %mul3A_0 = arith.muli %arg1, %mul3A : i32
    %add3A = arith.addi %mul3A_0, %arg0 : i32
    %mul3A_1 = arith.constant 10112 : i32
    %mul3A_2 = arith.muli %add3A, %mul3A_1 : i32
    %eq3A = arith.constant 0 : i32
    %eq3A_3 = arith.cmpi eq, %arg1, %eq3A : i32
    %convert_element_type3A = arith.extui %eq3A_3 : i1 to i32
    %cond3A = arith.constant 0 : i32
    %cond3A_4 = arith.cmpi ne, %convert_element_type3A, %cond3A : i32
    scf.if %cond3A_4 {
      "tpu.region"() ({
        %run_scoped3A = tpu.sem_alloc : memref<!tpu.dma_semaphore, #tpu.memory_space<semaphore_mem>>
        tpu.enqueue_dma source(%arg2 : memref<10240xf32, #tpu.memory_space<hbm>>) target(%arg12 : memref<10240xf32, #tpu.memory_space<vmem_shared>>) target_semaphore(%run_scoped3A : memref<!tpu.dma_semaphore, #tpu.memory_space<semaphore_mem>>)
        tpu.wait_dma2 semaphore(%run_scoped3A : memref<!tpu.dma_semaphore, #tpu.memory_space<semaphore_mem>>) src(%arg2 : memref<10240xf32, #tpu.memory_space<hbm>>) dst(%arg12 : memref<10240xf32, #tpu.memory_space<vmem_shared>>)
        tpu.yield
      }) : () -> ()
      "tpu.region"() ({
        %run_scoped3A = tpu.sem_alloc : memref<!tpu.dma_semaphore, #tpu.memory_space<semaphore_mem>>
        tpu.enqueue_dma source(%arg3 : memref<10240xf32, #tpu.memory_space<hbm>>) target(%arg13 : memref<10240xf32, #tpu.memory_space<vmem_shared>>) target_semaphore(%run_scoped3A : memref<!tpu.dma_semaphore, #tpu.memory_space<semaphore_mem>>)
        tpu.wait_dma2 semaphore(%run_scoped3A : memref<!tpu.dma_semaphore, #tpu.memory_space<semaphore_mem>>) src(%arg3 : memref<10240xf32, #tpu.memory_space<hbm>>) dst(%arg13 : memref<10240xf32, #tpu.memory_space<vmem_shared>>)
        tpu.yield
      }) : () -> ()
    } else {
    }
    "tpu.region"() ({
      %run_scoped3A = tpu.sem_alloc : memref<!tpu.dma_semaphore, #tpu.memory_space<semaphore_mem>>
      %dma_start3A_16 = tpu.memref_slice %arg4[%mul3A_2] : memref<323584xi32, #tpu.memory_space<hbm>> -> memref<10112xi32, #tpu.memory_space<hbm>>
      %dma_start3A_17 = tpu.memref_slice %arg4[%mul3A_2] : memref<323584xi32, #tpu.memory_space<hbm>> -> memref<10112xi32, #tpu.memory_space<hbm>>
      tpu.enqueue_dma source(%dma_start3A_17 : memref<10112xi32, #tpu.memory_space<hbm>>) target(%arg7 : memref<10112xi32, #tpu.memory_space<vmem>>) target_semaphore(%run_scoped3A : memref<!tpu.dma_semaphore, #tpu.memory_space<semaphore_mem>>)
      %dma_wait3A_18 = tpu.memref_slice %arg4[%mul3A_2] : memref<323584xi32, #tpu.memory_space<hbm>> -> memref<10112xi32, #tpu.memory_space<hbm>>
      %dma_wait3A_19 = tpu.memref_slice %arg4[%mul3A_2] : memref<323584xi32, #tpu.memory_space<hbm>> -> memref<10112xi32, #tpu.memory_space<hbm>>
      tpu.wait_dma2 semaphore(%run_scoped3A : memref<!tpu.dma_semaphore, #tpu.memory_space<semaphore_mem>>) src(%dma_wait3A_19 : memref<10112xi32, #tpu.memory_space<hbm>>) dst(%arg7 : memref<10112xi32, #tpu.memory_space<vmem>>)
      tpu.yield
    }) : () -> ()
    "tpu.region"() ({
      %run_scoped3A = tpu.sem_alloc : memref<!tpu.dma_semaphore, #tpu.memory_space<semaphore_mem>>
      %dma_start3A_16 = tpu.memref_slice %arg5[%mul3A_2] : memref<323584xi32, #tpu.memory_space<hbm>> -> memref<10112xi32, #tpu.memory_space<hbm>>
      %dma_start3A_17 = tpu.memref_slice %arg5[%mul3A_2] : memref<323584xi32, #tpu.memory_space<hbm>> -> memref<10112xi32, #tpu.memory_space<hbm>>
      tpu.enqueue_dma source(%dma_start3A_17 : memref<10112xi32, #tpu.memory_space<hbm>>) target(%arg8 : memref<10112xi32, #tpu.memory_space<vmem>>) target_semaphore(%run_scoped3A : memref<!tpu.dma_semaphore, #tpu.memory_space<semaphore_mem>>)
      %dma_wait3A_18 = tpu.memref_slice %arg5[%mul3A_2] : memref<323584xi32, #tpu.memory_space<hbm>> -> memref<10112xi32, #tpu.memory_space<hbm>>
      %dma_wait3A_19 = tpu.memref_slice %arg5[%mul3A_2] : memref<323584xi32, #tpu.memory_space<hbm>> -> memref<10112xi32, #tpu.memory_space<hbm>>
      tpu.wait_dma2 semaphore(%run_scoped3A : memref<!tpu.dma_semaphore, #tpu.memory_space<semaphore_mem>>) src(%dma_wait3A_19 : memref<10112xi32, #tpu.memory_space<hbm>>) dst(%arg8 : memref<10112xi32, #tpu.memory_space<vmem>>)
      tpu.yield
    }) : () -> ()
    %barrier3A = arith.constant 0 : index
    tpu.barrier barrier_id(%barrier3A)
    %dma_start3A = arith.constant 0 : i32
    %dma_start3A_5 = tpu.memref_slice %arg12[%dma_start3A] : memref<10240xf32, #tpu.memory_space<vmem_shared>> -> memref<10240xf32, #tpu.memory_space<vmem_shared>>
    tpu.enqueue_indirect_dma source(%dma_start3A_5 : memref<10240xf32, #tpu.memory_space<vmem_shared>>) target(%arg9 : memref<10112xf32, #tpu.memory_space<vmem>>) offsets(%arg7 : memref<10112xi32, #tpu.memory_space<vmem>>) semaphore(%arg14 : memref<!tpu.dma_semaphore, #tpu.memory_space<semaphore_mem>>)
    %dma_wait3A = arith.constant 0 : i32
    %dma_wait3A_6 = tpu.memref_slice %arg12[%dma_wait3A] : memref<10240xf32, #tpu.memory_space<vmem_shared>> -> memref<10240xf32, #tpu.memory_space<vmem_shared>>
    tpu.wait_indirect_dma semaphore(%arg14 : memref<!tpu.dma_semaphore, #tpu.memory_space<semaphore_mem>>) src(%dma_wait3A_6 : memref<10240xf32, #tpu.memory_space<vmem_shared>>) dst(%arg9 : memref<10112xf32, #tpu.memory_space<vmem>>)
    %dma_start3A_7 = arith.constant 0 : i32
    %dma_start3A_8 = tpu.memref_slice %arg13[%dma_start3A_7] : memref<10240xf32, #tpu.memory_space<vmem_shared>> -> memref<10240xf32, #tpu.memory_space<vmem_shared>>
    tpu.enqueue_indirect_dma source(%dma_start3A_8 : memref<10240xf32, #tpu.memory_space<vmem_shared>>) target(%arg10 : memref<10112xf32, #tpu.memory_space<vmem>>) offsets(%arg8 : memref<10112xi32, #tpu.memory_space<vmem>>) semaphore(%arg14 : memref<!tpu.dma_semaphore, #tpu.memory_space<semaphore_mem>>)
    %dma_wait3A_9 = arith.constant 0 : i32
    %dma_wait3A_10 = tpu.memref_slice %arg13[%dma_wait3A_9] : memref<10240xf32, #tpu.memory_space<vmem_shared>> -> memref<10240xf32, #tpu.memory_space<vmem_shared>>
    tpu.wait_indirect_dma semaphore(%arg14 : memref<!tpu.dma_semaphore, #tpu.memory_space<semaphore_mem>>) src(%dma_wait3A_10 : memref<10240xf32, #tpu.memory_space<vmem_shared>>) dst(%arg10 : memref<10112xf32, #tpu.memory_space<vmem>>)
    %scan3A = arith.constant 0 : i32
    %scan3A_11 = arith.constant 0 : i32
    %scan3A_12 = arith.constant 632 : i32
    %scan3A_13 = arith.addi %scan3A_11, %scan3A_12 : i32
    %scan3A_14 = arith.constant 1 : i32
    scf.for %scan3A_16 = %scan3A_11 to %scan3A_13 step %scan3A_14  : i32 {
      %mul3A_17 = arith.constant 16 : i32
      %mul3A_18 = arith.muli %scan3A_16, %mul3A_17 : i32
      %get3A = arith.index_cast %mul3A_18 : i32 to index
      %get3A_19 = tpu.vector_load %arg9[%get3A] {strides = array<i32>} : memref<10112xf32, #tpu.memory_space<vmem>>, vector<16xf32>,
      %get3A_20 = vector.shape_cast %get3A_19 : vector<16xf32> to vector<16xf32>
      %mul3A_21 = arith.constant 16 : i32
      %mul3A_22 = arith.muli %scan3A_16, %mul3A_21 : i32
      %get3A_23 = arith.index_cast %mul3A_22 : i32 to index
      %get3A_24 = tpu.vector_load %arg10[%get3A_23] {strides = array<i32>} : memref<10112xf32, #tpu.memory_space<vmem>>, vector<16xf32>,
      %get3A_25 = vector.shape_cast %get3A_24 : vector<16xf32> to vector<16xf32>
      %add3A_26 = arith.addf %get3A_20, %get3A_25 : vector<16xf32>
      %neg3A = arith.constant 0.000000e+00 : f32
      %neg3A_27 = vector.broadcast %neg3A : f32 to vector<16xf32>
      %neg3A_28 = arith.subf %neg3A_27, %add3A_26 : vector<16xf32>
      %exp3A = math.exp %neg3A_28 : vector<16xf32>
      %add3A_29 = arith.constant 1.000000e+00 : f32
      %add3A_30 = vector.broadcast %add3A_29 : f32 to vector<16xf32>
      %add3A_31 = arith.addf %add3A_30, %exp3A : vector<16xf32>
      %div3A = arith.constant 1.000000e+00 : f32
      %div3A_32 = vector.broadcast %div3A : f32 to vector<16xf32>
      %div3A_33 = arith.divf %div3A_32, %add3A_31 : vector<16xf32>
      %mul3A_34 = arith.constant 16 : i32
      %mul3A_35 = arith.muli %scan3A_16, %mul3A_34 : i32
      %swap3A = arith.index_cast %mul3A_35 : i32 to index
      %swap3A_36 = tpu.vector_load %arg11[%swap3A] {strides = array<i32>} : memref<10112xf32, #tpu.memory_space<vmem>>, vector<16xf32>,
      %swap3A_37 = vector.shape_cast %swap3A_36 : vector<16xf32> to vector<16xf32>
      %swap3A_38 = vector.shape_cast %div3A_33 : vector<16xf32> to vector<16xf32>
      tpu.vector_store %arg11[%swap3A], %swap3A_38 {strides = array<i32>} : memref<10112xf32, #tpu.memory_space<vmem>>, vector<16xf32>,
    }
    %scan3A_15 = arith.constant 632 : i32
    "tpu.region"() ({
      %run_scoped3A = tpu.sem_alloc : memref<!tpu.dma_semaphore, #tpu.memory_space<semaphore_mem>>
      %dma_start3A_16 = tpu.memref_slice %arg6[%mul3A_2] : memref<323584xf32, #tpu.memory_space<hbm>> -> memref<10112xf32, #tpu.memory_space<hbm>>
      %dma_start3A_17 = tpu.memref_slice %arg6[%mul3A_2] : memref<323584xf32, #tpu.memory_space<hbm>> -> memref<10112xf32, #tpu.memory_space<hbm>>
      tpu.enqueue_dma source(%arg11 : memref<10112xf32, #tpu.memory_space<vmem>>) target(%dma_start3A_17 : memref<10112xf32, #tpu.memory_space<hbm>>) target_semaphore(%run_scoped3A : memref<!tpu.dma_semaphore, #tpu.memory_space<semaphore_mem>>)
      %dma_wait3A_18 = tpu.memref_slice %arg6[%mul3A_2] : memref<323584xf32, #tpu.memory_space<hbm>> -> memref<10112xf32, #tpu.memory_space<hbm>>
      %dma_wait3A_19 = tpu.memref_slice %arg6[%mul3A_2] : memref<323584xf32, #tpu.memory_space<hbm>> -> memref<10112xf32, #tpu.memory_space<hbm>>
      tpu.wait_dma2 semaphore(%run_scoped3A : memref<!tpu.dma_semaphore, #tpu.memory_space<semaphore_mem>>) src(%arg11 : memref<10112xf32, #tpu.memory_space<vmem>>) dst(%dma_wait3A_19 : memref<10112xf32, #tpu.memory_space<hbm>>)
      tpu.yield
    }) : () -> ()
    return
  }
}

#map = affine_map<(d0, d1) -> (0, 0)>
#map1 = affine_map<(d0, d1) -> (0)>
module attributes {stable_mosaic.version = 14 : i64} {
  func.func @agg_k(%arg0: i32, %arg1: i32, %arg2: memref<10240x128xf32, #tpu.memory_space<hbm>>, %arg3: memref<10240x128xf32, #tpu.memory_space<hbm>>, %arg4: memref<323584xi32, #tpu.memory_space<hbm>>, %arg5: memref<647168xi32, #tpu.memory_space<hbm>>, %arg6: memref<10240x128xf32, #tpu.memory_space<hbm>>, %arg7: memref<20224xi32, #tpu.memory_space<vmem>>, %arg8: memref<20224xi32, #tpu.memory_space<vmem>>, %arg9: memref<128x128xf32, #tpu.memory_space<vmem>>, %arg10: memref<128x128xf32, #tpu.memory_space<vmem>>, %arg11: memref<5248x128xf32, #tpu.memory_space<vmem_shared>>, %arg12: memref<!tpu.dma_semaphore, #tpu.memory_space<semaphore_mem>>, %arg13: memref<!tpu.dma_semaphore, #tpu.memory_space<semaphore_mem>>, %arg14: memref<!tpu.dma_semaphore, #tpu.memory_space<semaphore_mem>>) attributes {dimension_semantics = [#tpu.dimension_semantics<core_parallel>, #tpu.dimension_semantics<subcore_parallel>], iteration_bounds = array<i64: 2, 16>, scalar_prefetch = 0 : i64, scratch_operands = 8 : i64, tpu.core_type = #tpu.core_type<sc_vector_subcore>, window_params = [{transform_indices = #map}, {transform_indices = #map}, {transform_indices = #map1}, {transform_indices = #map1}, {transform_indices = #map}]} {
    %mul3A = arith.constant 328 : i32
    %mul3A_0 = arith.muli %arg1, %mul3A : i32
    %mul3A_1 = arith.constant 328 : i32
    %mul3A_2 = arith.muli %arg1, %mul3A_1 : i32
    "tpu.region"() ({
      %run_scoped3A = tpu.sem_alloc : memref<!tpu.dma_semaphore, #tpu.memory_space<semaphore_mem>>
      %dma_start3A = arith.constant 0 : i32
      %dma_start3A_20 = tpu.memref_slice %arg11[%mul3A_2, %dma_start3A] : memref<5248x128xf32, #tpu.memory_space<vmem_shared>> -> memref<328x128xf32, #tpu.memory_space<vmem_shared>>
      %dma_start3A_21 = arith.constant 0 : i32
      %dma_start3A_22 = tpu.memref_slice %arg3[%mul3A_0, %dma_start3A_21] : memref<10240x128xf32, #tpu.memory_space<hbm>> -> memref<328x128xf32, #tpu.memory_space<hbm>>
      tpu.enqueue_dma source(%dma_start3A_22 : memref<328x128xf32, #tpu.memory_space<hbm>>) target(%dma_start3A_20 : memref<328x128xf32, #tpu.memory_space<vmem_shared>>) target_semaphore(%run_scoped3A : memref<!tpu.dma_semaphore, #tpu.memory_space<semaphore_mem>>)
      %dma_wait3A = arith.constant 0 : i32
      %dma_wait3A_23 = tpu.memref_slice %arg11[%mul3A_2, %dma_wait3A] : memref<5248x128xf32, #tpu.memory_space<vmem_shared>> -> memref<328x128xf32, #tpu.memory_space<vmem_shared>>
      %dma_wait3A_24 = arith.constant 0 : i32
      %dma_wait3A_25 = tpu.memref_slice %arg3[%mul3A_0, %dma_wait3A_24] : memref<10240x128xf32, #tpu.memory_space<hbm>> -> memref<328x128xf32, #tpu.memory_space<hbm>>
      tpu.wait_dma2 semaphore(%run_scoped3A : memref<!tpu.dma_semaphore, #tpu.memory_space<semaphore_mem>>) src(%dma_wait3A_25 : memref<328x128xf32, #tpu.memory_space<hbm>>) dst(%dma_wait3A_23 : memref<328x128xf32, #tpu.memory_space<vmem_shared>>)
      tpu.yield
    }) : () -> ()
    %mul3A_3 = arith.constant 20224 : i32
    %mul3A_4 = arith.muli %arg1, %mul3A_3 : i32
    "tpu.region"() ({
      %run_scoped3A = tpu.sem_alloc : memref<!tpu.dma_semaphore, #tpu.memory_space<semaphore_mem>>
      %dma_start3A = tpu.memref_slice %arg4[%mul3A_4] : memref<323584xi32, #tpu.memory_space<hbm>> -> memref<20224xi32, #tpu.memory_space<hbm>>
      %dma_start3A_20 = tpu.memref_slice %arg4[%mul3A_4] : memref<323584xi32, #tpu.memory_space<hbm>> -> memref<20224xi32, #tpu.memory_space<hbm>>
      tpu.enqueue_dma source(%dma_start3A_20 : memref<20224xi32, #tpu.memory_space<hbm>>) target(%arg7 : memref<20224xi32, #tpu.memory_space<vmem>>) target_semaphore(%run_scoped3A : memref<!tpu.dma_semaphore, #tpu.memory_space<semaphore_mem>>)
      %dma_wait3A = tpu.memref_slice %arg4[%mul3A_4] : memref<323584xi32, #tpu.memory_space<hbm>> -> memref<20224xi32, #tpu.memory_space<hbm>>
      %dma_wait3A_21 = tpu.memref_slice %arg4[%mul3A_4] : memref<323584xi32, #tpu.memory_space<hbm>> -> memref<20224xi32, #tpu.memory_space<hbm>>
      tpu.wait_dma2 semaphore(%run_scoped3A : memref<!tpu.dma_semaphore, #tpu.memory_space<semaphore_mem>>) src(%dma_wait3A_21 : memref<20224xi32, #tpu.memory_space<hbm>>) dst(%arg7 : memref<20224xi32, #tpu.memory_space<vmem>>)
      tpu.yield
    }) : () -> ()
    %mul3A_5 = arith.constant 323584 : i32
    %mul3A_6 = arith.muli %arg0, %mul3A_5 : i32
    %add3A = arith.addi %mul3A_6, %mul3A_4 : i32
    "tpu.region"() ({
      %run_scoped3A = tpu.sem_alloc : memref<!tpu.dma_semaphore, #tpu.memory_space<semaphore_mem>>
      %dma_start3A = tpu.memref_slice %arg5[%add3A] : memref<647168xi32, #tpu.memory_space<hbm>> -> memref<20224xi32, #tpu.memory_space<hbm>>
      %dma_start3A_20 = tpu.memref_slice %arg5[%add3A] : memref<647168xi32, #tpu.memory_space<hbm>> -> memref<20224xi32, #tpu.memory_space<hbm>>
      tpu.enqueue_dma source(%dma_start3A_20 : memref<20224xi32, #tpu.memory_space<hbm>>) target(%arg8 : memref<20224xi32, #tpu.memory_space<vmem>>) target_semaphore(%run_scoped3A : memref<!tpu.dma_semaphore, #tpu.memory_space<semaphore_mem>>)
      %dma_wait3A = tpu.memref_slice %arg5[%add3A] : memref<647168xi32, #tpu.memory_space<hbm>> -> memref<20224xi32, #tpu.memory_space<hbm>>
      %dma_wait3A_21 = tpu.memref_slice %arg5[%add3A] : memref<647168xi32, #tpu.memory_space<hbm>> -> memref<20224xi32, #tpu.memory_space<hbm>>
      tpu.wait_dma2 semaphore(%run_scoped3A : memref<!tpu.dma_semaphore, #tpu.memory_space<semaphore_mem>>) src(%dma_wait3A_21 : memref<20224xi32, #tpu.memory_space<hbm>>) dst(%arg8 : memref<20224xi32, #tpu.memory_space<vmem>>)
      tpu.yield
    }) : () -> ()
    %barrier3A = arith.constant 0 : index
    tpu.barrier barrier_id(%barrier3A)
    %scan3A = arith.constant 0 : i32
    %scan3A_7 = arith.constant 0 : i32
    %scan3A_8 = arith.constant 79 : i32
    %scan3A_9 = arith.addi %scan3A_7, %scan3A_8 : i32
    %scan3A_10 = arith.constant 1 : i32
    scf.for %scan3A_20 = %scan3A_7 to %scan3A_9 step %scan3A_10  : i32 {
      %mul3A_21 = arith.constant 2 : i32
      %mul3A_22 = arith.muli %mul3A_21, %scan3A_20 : i32
      %mul3A_23 = arith.constant 128 : i32
      %mul3A_24 = arith.muli %mul3A_22, %mul3A_23 : i32
      %add3A_25 = arith.constant 128 : i32
      %add3A_26 = arith.addi %mul3A_24, %add3A_25 : i32
      %dma_start3A = tpu.memref_slice %arg7[%mul3A_24] : memref<20224xi32, #tpu.memory_space<vmem>> -> memref<128xi32, #tpu.memory_space<vmem>>
      %dma_start3A_27 = arith.constant 0 : i32
      %dma_start3A_28 = arith.constant 0 : i32
      %dma_start3A_29 = tpu.memref_slice %arg2[%dma_start3A_27, %dma_start3A_28] : memref<10240x128xf32, #tpu.memory_space<hbm>> -> memref<10240x128xf32, #tpu.memory_space<hbm>>
      tpu.enqueue_indirect_dma source(%dma_start3A_29 : memref<10240x128xf32, #tpu.memory_space<hbm>>) target(%arg9 : memref<128x128xf32, #tpu.memory_space<vmem>>) offsets(%dma_start3A : memref<128xi32, #tpu.memory_space<vmem>>) semaphore(%arg12 : memref<!tpu.dma_semaphore, #tpu.memory_space<semaphore_mem>>)
      %dma_start3A_30 = tpu.memref_slice %arg7[%add3A_26] : memref<20224xi32, #tpu.memory_space<vmem>> -> memref<128xi32, #tpu.memory_space<vmem>>
      %dma_start3A_31 = arith.constant 0 : i32
      %dma_start3A_32 = arith.constant 0 : i32
      %dma_start3A_33 = tpu.memref_slice %arg2[%dma_start3A_31, %dma_start3A_32] : memref<10240x128xf32, #tpu.memory_space<hbm>> -> memref<10240x128xf32, #tpu.memory_space<hbm>>
      tpu.enqueue_indirect_dma source(%dma_start3A_33 : memref<10240x128xf32, #tpu.memory_space<hbm>>) target(%arg10 : memref<128x128xf32, #tpu.memory_space<vmem>>) offsets(%dma_start3A_30 : memref<128xi32, #tpu.memory_space<vmem>>) semaphore(%arg13 : memref<!tpu.dma_semaphore, #tpu.memory_space<semaphore_mem>>)
      %dma_wait3A = tpu.memref_slice %arg7[%mul3A_24] : memref<20224xi32, #tpu.memory_space<vmem>> -> memref<128xi32, #tpu.memory_space<vmem>>
      %dma_wait3A_34 = arith.constant 0 : i32
      %dma_wait3A_35 = arith.constant 0 : i32
      %dma_wait3A_36 = tpu.memref_slice %arg2[%dma_wait3A_34, %dma_wait3A_35] : memref<10240x128xf32, #tpu.memory_space<hbm>> -> memref<10240x128xf32, #tpu.memory_space<hbm>>
      tpu.wait_indirect_dma semaphore(%arg12 : memref<!tpu.dma_semaphore, #tpu.memory_space<semaphore_mem>>) src(%dma_wait3A_36 : memref<10240x128xf32, #tpu.memory_space<hbm>>) dst(%arg9 : memref<128x128xf32, #tpu.memory_space<vmem>>)
      %dma_start3A_37 = tpu.memref_slice %arg8[%mul3A_24] : memref<20224xi32, #tpu.memory_space<vmem>> -> memref<128xi32, #tpu.memory_space<vmem>>
      %dma_start3A_38 = arith.constant 0 : i32
      %dma_start3A_39 = arith.constant 0 : i32
      %dma_start3A_40 = tpu.memref_slice %arg11[%dma_start3A_38, %dma_start3A_39] : memref<5248x128xf32, #tpu.memory_space<vmem_shared>> -> memref<5248x128xf32, #tpu.memory_space<vmem_shared>>
      tpu.enqueue_indirect_dma source(%arg9 : memref<128x128xf32, #tpu.memory_space<vmem>>) target(%dma_start3A_40 : memref<5248x128xf32, #tpu.memory_space<vmem_shared>>) offsets(%dma_start3A_37 : memref<128xi32, #tpu.memory_space<vmem>>) semaphore(%arg14 : memref<!tpu.dma_semaphore, #tpu.memory_space<semaphore_mem>>) {add = true}
      %dma_wait3A_41 = tpu.memref_slice %arg7[%add3A_26] : memref<20224xi32, #tpu.memory_space<vmem>> -> memref<128xi32, #tpu.memory_space<vmem>>
      %dma_wait3A_42 = arith.constant 0 : i32
      %dma_wait3A_43 = arith.constant 0 : i32
      %dma_wait3A_44 = tpu.memref_slice %arg2[%dma_wait3A_42, %dma_wait3A_43] : memref<10240x128xf32, #tpu.memory_space<hbm>> -> memref<10240x128xf32, #tpu.memory_space<hbm>>
      tpu.wait_indirect_dma semaphore(%arg13 : memref<!tpu.dma_semaphore, #tpu.memory_space<semaphore_mem>>) src(%dma_wait3A_44 : memref<10240x128xf32, #tpu.memory_space<hbm>>) dst(%arg10 : memref<128x128xf32, #tpu.memory_space<vmem>>)
      %dma_wait3A_45 = tpu.memref_slice %arg8[%mul3A_24] : memref<20224xi32, #tpu.memory_space<vmem>> -> memref<128xi32, #tpu.memory_space<vmem>>
      %dma_wait3A_46 = arith.constant 0 : i32
      %dma_wait3A_47 = arith.constant 0 : i32
      %dma_wait3A_48 = tpu.memref_slice %arg11[%dma_wait3A_46, %dma_wait3A_47] : memref<5248x128xf32, #tpu.memory_space<vmem_shared>> -> memref<5248x128xf32, #tpu.memory_space<vmem_shared>>
      tpu.wait_indirect_dma semaphore(%arg14 : memref<!tpu.dma_semaphore, #tpu.memory_space<semaphore_mem>>) src(%arg9 : memref<128x128xf32, #tpu.memory_space<vmem>>) dst(%dma_wait3A_48 : memref<5248x128xf32, #tpu.memory_space<vmem_shared>>)
      "tpu.region"() ({
        %run_scoped3A = tpu.sem_alloc : memref<!tpu.dma_semaphore, #tpu.memory_space<semaphore_mem>>
        %dma_start3A_49 = tpu.memref_slice %arg8[%add3A_26] : memref<20224xi32, #tpu.memory_space<vmem>> -> memref<128xi32, #tpu.memory_space<vmem>>
        %dma_start3A_50 = arith.constant 0 : i32
        %dma_start3A_51 = arith.constant 0 : i32
        %dma_start3A_52 = tpu.memref_slice %arg11[%dma_start3A_50, %dma_start3A_51] : memref<5248x128xf32, #tpu.memory_space<vmem_shared>> -> memref<5248x128xf32, #tpu.memory_space<vmem_shared>>
        tpu.enqueue_indirect_dma source(%arg10 : memref<128x128xf32, #tpu.memory_space<vmem>>) target(%dma_start3A_52 : memref<5248x128xf32, #tpu.memory_space<vmem_shared>>) offsets(%dma_start3A_49 : memref<128xi32, #tpu.memory_space<vmem>>) semaphore(%run_scoped3A : memref<!tpu.dma_semaphore, #tpu.memory_space<semaphore_mem>>) {add = true}
        %dma_wait3A_53 = tpu.memref_slice %arg8[%add3A_26] : memref<20224xi32, #tpu.memory_space<vmem>> -> memref<128xi32, #tpu.memory_space<vmem>>
        %dma_wait3A_54 = arith.constant 0 : i32
        %dma_wait3A_55 = arith.constant 0 : i32
        %dma_wait3A_56 = tpu.memref_slice %arg11[%dma_wait3A_54, %dma_wait3A_55] : memref<5248x128xf32, #tpu.memory_space<vmem_shared>> -> memref<5248x128xf32, #tpu.memory_space<vmem_shared>>
        tpu.wait_indirect_dma semaphore(%run_scoped3A : memref<!tpu.dma_semaphore, #tpu.memory_space<semaphore_mem>>) src(%arg10 : memref<128x128xf32, #tpu.memory_space<vmem>>) dst(%dma_wait3A_56 : memref<5248x128xf32, #tpu.memory_space<vmem_shared>>)
        tpu.yield
      }) : () -> ()
    }
    %scan3A_11 = arith.constant 79 : i32
    %barrier3A_12 = arith.constant 0 : index
    tpu.barrier barrier_id(%barrier3A_12)
    %mul3A_13 = arith.constant 320 : i32
    %mul3A_14 = arith.muli %arg1, %mul3A_13 : i32
    %mul3A_15 = arith.constant 5120 : i32
    %mul3A_16 = arith.muli %arg0, %mul3A_15 : i32
    %mul3A_17 = arith.constant 320 : i32
    %mul3A_18 = arith.muli %arg1, %mul3A_17 : i32
    %add3A_19 = arith.addi %mul3A_16, %mul3A_18 : i32
    "tpu.region"() ({
      %run_scoped3A = tpu.sem_alloc : memref<!tpu.dma_semaphore, #tpu.memory_space<semaphore_mem>>
      %dma_start3A = arith.constant 0 : i32
      %dma_start3A_20 = tpu.memref_slice %arg6[%add3A_19, %dma_start3A] : memref<10240x128xf32, #tpu.memory_space<hbm>> -> memref<320x128xf32, #tpu.memory_space<hbm>>
      %dma_start3A_21 = arith.constant 0 : i32
      %dma_start3A_22 = tpu.memref_slice %arg11[%mul3A_14, %dma_start3A_21] : memref<5248x128xf32, #tpu.memory_space<vmem_shared>> -> memref<320x128xf32, #tpu.memory_space<vmem_shared>>
      tpu.enqueue_dma source(%dma_start3A_22 : memref<320x128xf32, #tpu.memory_space<vmem_shared>>) target(%dma_start3A_20 : memref<320x128xf32, #tpu.memory_space<hbm>>) target_semaphore(%run_scoped3A : memref<!tpu.dma_semaphore, #tpu.memory_space<semaphore_mem>>)
      %dma_wait3A = arith.constant 0 : i32
      %dma_wait3A_23 = tpu.memref_slice %arg6[%add3A_19, %dma_wait3A] : memref<10240x128xf32, #tpu.memory_space<hbm>> -> memref<320x128xf32, #tpu.memory_space<hbm>>
      %dma_wait3A_24 = arith.constant 0 : i32
      %dma_wait3A_25 = tpu.memref_slice %arg11[%mul3A_14, %dma_wait3A_24] : memref<5248x128xf32, #tpu.memory_space<vmem_shared>> -> memref<320x128xf32, #tpu.memory_space<vmem_shared>>
      tpu.wait_dma2 semaphore(%run_scoped3A : memref<!tpu.dma_semaphore, #tpu.memory_space<semaphore_mem>>) src(%dma_wait3A_25 : memref<320x128xf32, #tpu.memory_space<vmem_shared>>) dst(%dma_wait3A_23 : memref<320x128xf32, #tpu.memory_space<hbm>>)
      tpu.yield
    }) : () -> ()
    return
  }
}

#map = affine_map<(d0, d1) -> (0, 0)>
#map1 = affine_map<(d0, d1) -> (0)>
module attributes {stable_mosaic.version = 14 : i64} {
  func.func @agg_k(%arg0: i32, %arg1: i32, %arg2: memref<10240x128xf32, #tpu.memory_space<hbm>>, %arg3: memref<10240x128xf32, #tpu.memory_space<hbm>>, %arg4: memref<323584xi32, #tpu.memory_space<hbm>>, %arg5: memref<647168xi32, #tpu.memory_space<hbm>>, %arg6: memref<10240x128xf32, #tpu.memory_space<hbm>>, %arg7: memref<20224xi32, #tpu.memory_space<vmem>>, %arg8: memref<20224xi32, #tpu.memory_space<vmem>>, %arg9: memref<128x128xf32, #tpu.memory_space<vmem>>, %arg10: memref<128x128xf32, #tpu.memory_space<vmem>>, %arg11: memref<5248x128xf32, #tpu.memory_space<vmem_shared>>, %arg12: memref<!tpu.dma_semaphore, #tpu.memory_space<semaphore_mem>>, %arg13: memref<!tpu.dma_semaphore, #tpu.memory_space<semaphore_mem>>, %arg14: memref<!tpu.dma_semaphore, #tpu.memory_space<semaphore_mem>>) attributes {dimension_semantics = [#tpu.dimension_semantics<core_parallel>, #tpu.dimension_semantics<subcore_parallel>], iteration_bounds = array<i64: 2, 16>, scalar_prefetch = 0 : i64, scratch_operands = 8 : i64, tpu.core_type = #tpu.core_type<sc_vector_subcore>, window_params = [{transform_indices = #map}, {transform_indices = #map}, {transform_indices = #map1}, {transform_indices = #map1}, {transform_indices = #map}]} {
    %mul3A = arith.constant 328 : i32
    %mul3A_0 = arith.muli %arg1, %mul3A : i32
    %mul3A_1 = arith.constant 328 : i32
    %mul3A_2 = arith.muli %arg1, %mul3A_1 : i32
    "tpu.region"() ({
      %run_scoped3A = tpu.sem_alloc : memref<!tpu.dma_semaphore, #tpu.memory_space<semaphore_mem>>
      %dma_start3A = arith.constant 0 : i32
      %dma_start3A_20 = tpu.memref_slice %arg11[%mul3A_2, %dma_start3A] : memref<5248x128xf32, #tpu.memory_space<vmem_shared>> -> memref<328x128xf32, #tpu.memory_space<vmem_shared>>
      %dma_start3A_21 = arith.constant 0 : i32
      %dma_start3A_22 = tpu.memref_slice %arg3[%mul3A_0, %dma_start3A_21] : memref<10240x128xf32, #tpu.memory_space<hbm>> -> memref<328x128xf32, #tpu.memory_space<hbm>>
      tpu.enqueue_dma source(%dma_start3A_22 : memref<328x128xf32, #tpu.memory_space<hbm>>) target(%dma_start3A_20 : memref<328x128xf32, #tpu.memory_space<vmem_shared>>) target_semaphore(%run_scoped3A : memref<!tpu.dma_semaphore, #tpu.memory_space<semaphore_mem>>)
      %dma_wait3A = arith.constant 0 : i32
      %dma_wait3A_23 = tpu.memref_slice %arg11[%mul3A_2, %dma_wait3A] : memref<5248x128xf32, #tpu.memory_space<vmem_shared>> -> memref<328x128xf32, #tpu.memory_space<vmem_shared>>
      %dma_wait3A_24 = arith.constant 0 : i32
      %dma_wait3A_25 = tpu.memref_slice %arg3[%mul3A_0, %dma_wait3A_24] : memref<10240x128xf32, #tpu.memory_space<hbm>> -> memref<328x128xf32, #tpu.memory_space<hbm>>
      tpu.wait_dma2 semaphore(%run_scoped3A : memref<!tpu.dma_semaphore, #tpu.memory_space<semaphore_mem>>) src(%dma_wait3A_25 : memref<328x128xf32, #tpu.memory_space<hbm>>) dst(%dma_wait3A_23 : memref<328x128xf32, #tpu.memory_space<vmem_shared>>)
      tpu.yield
    }) : () -> ()
    %mul3A_3 = arith.constant 20224 : i32
    %mul3A_4 = arith.muli %arg1, %mul3A_3 : i32
    "tpu.region"() ({
      %run_scoped3A = tpu.sem_alloc : memref<!tpu.dma_semaphore, #tpu.memory_space<semaphore_mem>>
      %dma_start3A = tpu.memref_slice %arg4[%mul3A_4] : memref<323584xi32, #tpu.memory_space<hbm>> -> memref<20224xi32, #tpu.memory_space<hbm>>
      %dma_start3A_20 = tpu.memref_slice %arg4[%mul3A_4] : memref<323584xi32, #tpu.memory_space<hbm>> -> memref<20224xi32, #tpu.memory_space<hbm>>
      tpu.enqueue_dma source(%dma_start3A_20 : memref<20224xi32, #tpu.memory_space<hbm>>) target(%arg7 : memref<20224xi32, #tpu.memory_space<vmem>>) target_semaphore(%run_scoped3A : memref<!tpu.dma_semaphore, #tpu.memory_space<semaphore_mem>>)
      %dma_wait3A = tpu.memref_slice %arg4[%mul3A_4] : memref<323584xi32, #tpu.memory_space<hbm>> -> memref<20224xi32, #tpu.memory_space<hbm>>
      %dma_wait3A_21 = tpu.memref_slice %arg4[%mul3A_4] : memref<323584xi32, #tpu.memory_space<hbm>> -> memref<20224xi32, #tpu.memory_space<hbm>>
      tpu.wait_dma2 semaphore(%run_scoped3A : memref<!tpu.dma_semaphore, #tpu.memory_space<semaphore_mem>>) src(%dma_wait3A_21 : memref<20224xi32, #tpu.memory_space<hbm>>) dst(%arg7 : memref<20224xi32, #tpu.memory_space<vmem>>)
      tpu.yield
    }) : () -> ()
    %mul3A_5 = arith.constant 323584 : i32
    %mul3A_6 = arith.muli %arg0, %mul3A_5 : i32
    %add3A = arith.addi %mul3A_6, %mul3A_4 : i32
    "tpu.region"() ({
      %run_scoped3A = tpu.sem_alloc : memref<!tpu.dma_semaphore, #tpu.memory_space<semaphore_mem>>
      %dma_start3A = tpu.memref_slice %arg5[%add3A] : memref<647168xi32, #tpu.memory_space<hbm>> -> memref<20224xi32, #tpu.memory_space<hbm>>
      %dma_start3A_20 = tpu.memref_slice %arg5[%add3A] : memref<647168xi32, #tpu.memory_space<hbm>> -> memref<20224xi32, #tpu.memory_space<hbm>>
      tpu.enqueue_dma source(%dma_start3A_20 : memref<20224xi32, #tpu.memory_space<hbm>>) target(%arg8 : memref<20224xi32, #tpu.memory_space<vmem>>) target_semaphore(%run_scoped3A : memref<!tpu.dma_semaphore, #tpu.memory_space<semaphore_mem>>)
      %dma_wait3A = tpu.memref_slice %arg5[%add3A] : memref<647168xi32, #tpu.memory_space<hbm>> -> memref<20224xi32, #tpu.memory_space<hbm>>
      %dma_wait3A_21 = tpu.memref_slice %arg5[%add3A] : memref<647168xi32, #tpu.memory_space<hbm>> -> memref<20224xi32, #tpu.memory_space<hbm>>
      tpu.wait_dma2 semaphore(%run_scoped3A : memref<!tpu.dma_semaphore, #tpu.memory_space<semaphore_mem>>) src(%dma_wait3A_21 : memref<20224xi32, #tpu.memory_space<hbm>>) dst(%arg8 : memref<20224xi32, #tpu.memory_space<vmem>>)
      tpu.yield
    }) : () -> ()
    %barrier3A = arith.constant 0 : index
    tpu.barrier barrier_id(%barrier3A)
    %scan3A = arith.constant 0 : i32
    %scan3A_7 = arith.constant 0 : i32
    %scan3A_8 = arith.constant 79 : i32
    %scan3A_9 = arith.addi %scan3A_7, %scan3A_8 : i32
    %scan3A_10 = arith.constant 1 : i32
    scf.for %scan3A_20 = %scan3A_7 to %scan3A_9 step %scan3A_10  : i32 {
      %mul3A_21 = arith.constant 2 : i32
      %mul3A_22 = arith.muli %mul3A_21, %scan3A_20 : i32
      %mul3A_23 = arith.constant 128 : i32
      %mul3A_24 = arith.muli %mul3A_22, %mul3A_23 : i32
      %add3A_25 = arith.constant 128 : i32
      %add3A_26 = arith.addi %mul3A_24, %add3A_25 : i32
      %dma_start3A = tpu.memref_slice %arg7[%mul3A_24] : memref<20224xi32, #tpu.memory_space<vmem>> -> memref<128xi32, #tpu.memory_space<vmem>>
      %dma_start3A_27 = arith.constant 0 : i32
      %dma_start3A_28 = arith.constant 0 : i32
      %dma_start3A_29 = tpu.memref_slice %arg2[%dma_start3A_27, %dma_start3A_28] : memref<10240x128xf32, #tpu.memory_space<hbm>> -> memref<10240x128xf32, #tpu.memory_space<hbm>>
      tpu.enqueue_indirect_dma source(%dma_start3A_29 : memref<10240x128xf32, #tpu.memory_space<hbm>>) target(%arg9 : memref<128x128xf32, #tpu.memory_space<vmem>>) offsets(%dma_start3A : memref<128xi32, #tpu.memory_space<vmem>>) semaphore(%arg12 : memref<!tpu.dma_semaphore, #tpu.memory_space<semaphore_mem>>)
      %dma_start3A_30 = tpu.memref_slice %arg7[%add3A_26] : memref<20224xi32, #tpu.memory_space<vmem>> -> memref<128xi32, #tpu.memory_space<vmem>>
      %dma_start3A_31 = arith.constant 0 : i32
      %dma_start3A_32 = arith.constant 0 : i32
      %dma_start3A_33 = tpu.memref_slice %arg2[%dma_start3A_31, %dma_start3A_32] : memref<10240x128xf32, #tpu.memory_space<hbm>> -> memref<10240x128xf32, #tpu.memory_space<hbm>>
      tpu.enqueue_indirect_dma source(%dma_start3A_33 : memref<10240x128xf32, #tpu.memory_space<hbm>>) target(%arg10 : memref<128x128xf32, #tpu.memory_space<vmem>>) offsets(%dma_start3A_30 : memref<128xi32, #tpu.memory_space<vmem>>) semaphore(%arg13 : memref<!tpu.dma_semaphore, #tpu.memory_space<semaphore_mem>>)
      %dma_wait3A = tpu.memref_slice %arg7[%mul3A_24] : memref<20224xi32, #tpu.memory_space<vmem>> -> memref<128xi32, #tpu.memory_space<vmem>>
      %dma_wait3A_34 = arith.constant 0 : i32
      %dma_wait3A_35 = arith.constant 0 : i32
      %dma_wait3A_36 = tpu.memref_slice %arg2[%dma_wait3A_34, %dma_wait3A_35] : memref<10240x128xf32, #tpu.memory_space<hbm>> -> memref<10240x128xf32, #tpu.memory_space<hbm>>
      tpu.wait_indirect_dma semaphore(%arg12 : memref<!tpu.dma_semaphore, #tpu.memory_space<semaphore_mem>>) src(%dma_wait3A_36 : memref<10240x128xf32, #tpu.memory_space<hbm>>) dst(%arg9 : memref<128x128xf32, #tpu.memory_space<vmem>>)
      %dma_start3A_37 = tpu.memref_slice %arg8[%mul3A_24] : memref<20224xi32, #tpu.memory_space<vmem>> -> memref<128xi32, #tpu.memory_space<vmem>>
      %dma_start3A_38 = arith.constant 0 : i32
      %dma_start3A_39 = arith.constant 0 : i32
      %dma_start3A_40 = tpu.memref_slice %arg11[%dma_start3A_38, %dma_start3A_39] : memref<5248x128xf32, #tpu.memory_space<vmem_shared>> -> memref<5248x128xf32, #tpu.memory_space<vmem_shared>>
      tpu.enqueue_indirect_dma source(%arg9 : memref<128x128xf32, #tpu.memory_space<vmem>>) target(%dma_start3A_40 : memref<5248x128xf32, #tpu.memory_space<vmem_shared>>) offsets(%dma_start3A_37 : memref<128xi32, #tpu.memory_space<vmem>>) semaphore(%arg14 : memref<!tpu.dma_semaphore, #tpu.memory_space<semaphore_mem>>) {add = true}
      %dma_wait3A_41 = tpu.memref_slice %arg7[%add3A_26] : memref<20224xi32, #tpu.memory_space<vmem>> -> memref<128xi32, #tpu.memory_space<vmem>>
      %dma_wait3A_42 = arith.constant 0 : i32
      %dma_wait3A_43 = arith.constant 0 : i32
      %dma_wait3A_44 = tpu.memref_slice %arg2[%dma_wait3A_42, %dma_wait3A_43] : memref<10240x128xf32, #tpu.memory_space<hbm>> -> memref<10240x128xf32, #tpu.memory_space<hbm>>
      tpu.wait_indirect_dma semaphore(%arg13 : memref<!tpu.dma_semaphore, #tpu.memory_space<semaphore_mem>>) src(%dma_wait3A_44 : memref<10240x128xf32, #tpu.memory_space<hbm>>) dst(%arg10 : memref<128x128xf32, #tpu.memory_space<vmem>>)
      %dma_wait3A_45 = tpu.memref_slice %arg8[%mul3A_24] : memref<20224xi32, #tpu.memory_space<vmem>> -> memref<128xi32, #tpu.memory_space<vmem>>
      %dma_wait3A_46 = arith.constant 0 : i32
      %dma_wait3A_47 = arith.constant 0 : i32
      %dma_wait3A_48 = tpu.memref_slice %arg11[%dma_wait3A_46, %dma_wait3A_47] : memref<5248x128xf32, #tpu.memory_space<vmem_shared>> -> memref<5248x128xf32, #tpu.memory_space<vmem_shared>>
      tpu.wait_indirect_dma semaphore(%arg14 : memref<!tpu.dma_semaphore, #tpu.memory_space<semaphore_mem>>) src(%arg9 : memref<128x128xf32, #tpu.memory_space<vmem>>) dst(%dma_wait3A_48 : memref<5248x128xf32, #tpu.memory_space<vmem_shared>>)
      "tpu.region"() ({
        %run_scoped3A = tpu.sem_alloc : memref<!tpu.dma_semaphore, #tpu.memory_space<semaphore_mem>>
        %dma_start3A_49 = tpu.memref_slice %arg8[%add3A_26] : memref<20224xi32, #tpu.memory_space<vmem>> -> memref<128xi32, #tpu.memory_space<vmem>>
        %dma_start3A_50 = arith.constant 0 : i32
        %dma_start3A_51 = arith.constant 0 : i32
        %dma_start3A_52 = tpu.memref_slice %arg11[%dma_start3A_50, %dma_start3A_51] : memref<5248x128xf32, #tpu.memory_space<vmem_shared>> -> memref<5248x128xf32, #tpu.memory_space<vmem_shared>>
        tpu.enqueue_indirect_dma source(%arg10 : memref<128x128xf32, #tpu.memory_space<vmem>>) target(%dma_start3A_52 : memref<5248x128xf32, #tpu.memory_space<vmem_shared>>) offsets(%dma_start3A_49 : memref<128xi32, #tpu.memory_space<vmem>>) semaphore(%run_scoped3A : memref<!tpu.dma_semaphore, #tpu.memory_space<semaphore_mem>>) {add = true}
        %dma_wait3A_53 = tpu.memref_slice %arg8[%add3A_26] : memref<20224xi32, #tpu.memory_space<vmem>> -> memref<128xi32, #tpu.memory_space<vmem>>
        %dma_wait3A_54 = arith.constant 0 : i32
        %dma_wait3A_55 = arith.constant 0 : i32
        %dma_wait3A_56 = tpu.memref_slice %arg11[%dma_wait3A_54, %dma_wait3A_55] : memref<5248x128xf32, #tpu.memory_space<vmem_shared>> -> memref<5248x128xf32, #tpu.memory_space<vmem_shared>>
        tpu.wait_indirect_dma semaphore(%run_scoped3A : memref<!tpu.dma_semaphore, #tpu.memory_space<semaphore_mem>>) src(%arg10 : memref<128x128xf32, #tpu.memory_space<vmem>>) dst(%dma_wait3A_56 : memref<5248x128xf32, #tpu.memory_space<vmem_shared>>)
        tpu.yield
      }) : () -> ()
    }
    %scan3A_11 = arith.constant 79 : i32
    %barrier3A_12 = arith.constant 0 : index
    tpu.barrier barrier_id(%barrier3A_12)
    %mul3A_13 = arith.constant 320 : i32
    %mul3A_14 = arith.muli %arg1, %mul3A_13 : i32
    %mul3A_15 = arith.constant 5120 : i32
    %mul3A_16 = arith.muli %arg0, %mul3A_15 : i32
    %mul3A_17 = arith.constant 320 : i32
    %mul3A_18 = arith.muli %arg1, %mul3A_17 : i32
    %add3A_19 = arith.addi %mul3A_16, %mul3A_18 : i32
    "tpu.region"() ({
      %run_scoped3A = tpu.sem_alloc : memref<!tpu.dma_semaphore, #tpu.memory_space<semaphore_mem>>
      %dma_start3A = arith.constant 0 : i32
      %dma_start3A_20 = tpu.memref_slice %arg6[%add3A_19, %dma_start3A] : memref<10240x128xf32, #tpu.memory_space<hbm>> -> memref<320x128xf32, #tpu.memory_space<hbm>>
      %dma_start3A_21 = arith.constant 0 : i32
      %dma_start3A_22 = tpu.memref_slice %arg11[%mul3A_14, %dma_start3A_21] : memref<5248x128xf32, #tpu.memory_space<vmem_shared>> -> memref<320x128xf32, #tpu.memory_space<vmem_shared>>
      tpu.enqueue_dma source(%dma_start3A_22 : memref<320x128xf32, #tpu.memory_space<vmem_shared>>) target(%dma_start3A_20 : memref<320x128xf32, #tpu.memory_space<hbm>>) target_semaphore(%run_scoped3A : memref<!tpu.dma_semaphore, #tpu.memory_space<semaphore_mem>>)
      %dma_wait3A = arith.constant 0 : i32
      %dma_wait3A_23 = tpu.memref_slice %arg6[%add3A_19, %dma_wait3A] : memref<10240x128xf32, #tpu.memory_space<hbm>> -> memref<320x128xf32, #tpu.memory_space<hbm>>
      %dma_wait3A_24 = arith.constant 0 : i32
      %dma_wait3A_25 = tpu.memref_slice %arg11[%mul3A_14, %dma_wait3A_24] : memref<5248x128xf32, #tpu.memory_space<vmem_shared>> -> memref<320x128xf32, #tpu.memory_space<vmem_shared>>
      tpu.wait_dma2 semaphore(%run_scoped3A : memref<!tpu.dma_semaphore, #tpu.memory_space<semaphore_mem>>) src(%dma_wait3A_25 : memref<320x128xf32, #tpu.memory_space<vmem_shared>>) dst(%dma_wait3A_23 : memref<320x128xf32, #tpu.memory_space<hbm>>)
      tpu.yield
    }) : () -> ()
    return
  }
}

module attributes {stable_mosaic.version = 14 : i64} {
  func.func @_layer_body(%arg0: memref<10240x128xf32, #tpu.memory_space<vmem>>, %arg1: memref<128x128xf32, #tpu.memory_space<vmem>>, %arg2: memref<8x128xf32, #tpu.memory_space<vmem>>, %arg3: memref<10240x128xf32, #tpu.memory_space<vmem>>) attributes {dimension_semantics = [], scalar_prefetch = 0 : i64, scratch_operands = 0 : i64, tpu.core_type = #tpu.core_type<tc>} {
    %get3A = arith.constant 0 : index
    %get3A_0 = arith.constant 0 : index
    %get3A_1 = vector.load %arg0[%get3A, %get3A_0] : memref<10240x128xf32, #tpu.memory_space<vmem>>, vector<10240x128xf32>
    %get3A_2 = arith.constant 0 : index
    %get3A_3 = arith.constant 0 : index
    %get3A_4 = vector.load %arg1[%get3A_2, %get3A_3] : memref<128x128xf32, #tpu.memory_space<vmem>>, vector<128x128xf32>
    %convert_element_type3A = arith.truncf %get3A_1 : vector<10240x128xf32> to vector<10240x128xbf16>
    %convert_element_type3A_5 = arith.truncf %get3A_4 : vector<128x128xf32> to vector<128x128xbf16>
    %dot_general3A = arith.constant dense<0.000000e+00> : vector<10240x128xf32>
    %dot_general3A_6 = tpu.matmul %convert_element_type3A, %convert_element_type3A_5, %dot_general3A {dimension_numbers = #tpu.dot_dimension_numbers<[1], [0], [0], [1], [0, 0, 1, 1], [], []>, transpose_lhs_hint = false} : vector<10240x128xbf16>, vector<128x128xbf16>, vector<10240x128xf32> -> vector<10240x128xf32>
    %get3A_7 = arith.constant 0 : index
    %get3A_8 = arith.constant 0 : index
    %get3A_9 = vector.load %arg2[%get3A_7, %get3A_8] : memref<8x128xf32, #tpu.memory_space<vmem>>, vector<1x128xf32>
    %add3A = vector.broadcast %get3A_9 : vector<1x128xf32> to vector<10240x128xf32>
    %add3A_10 = arith.addf %dot_general3A_6, %add3A : vector<10240x128xf32>
    %swap3A = arith.constant 0 : index
    %swap3A_11 = arith.constant 0 : index
    %swap3A_12 = vector.load %arg3[%swap3A, %swap3A_11] : memref<10240x128xf32, #tpu.memory_space<vmem>>, vector<10240x128xf32>
    tpu.vector_store %arg3[%swap3A, %swap3A_11], %add3A_10 {strides = array<i32>} : memref<10240x128xf32, #tpu.memory_space<vmem>>, vector<10240x128xf32>,
    return
  }
}

module attributes {stable_mosaic.version = 14 : i64} {
  func.func @_final_body(%arg0: memref<10240x128xf32, #tpu.memory_space<vmem>>, %arg1: memref<128x128xf32, #tpu.memory_space<vmem>>, %arg2: memref<8x128xf32, #tpu.memory_space<vmem>>, %arg3: memref<128x128xf32, #tpu.memory_space<vmem>>, %arg4: memref<8x128xf32, #tpu.memory_space<vmem>>, %arg5: memref<10240x128xf32, #tpu.memory_space<vmem>>) attributes {dimension_semantics = [], scalar_prefetch = 0 : i64, scratch_operands = 0 : i64, tpu.core_type = #tpu.core_type<tc>} {
    %get3A = arith.constant 0 : index
    %get3A_0 = arith.constant 0 : index
    %get3A_1 = vector.load %arg0[%get3A, %get3A_0] : memref<10240x128xf32, #tpu.memory_space<vmem>>, vector<10240x128xf32>
    %get3A_2 = arith.constant 0 : index
    %get3A_3 = arith.constant 0 : index
    %get3A_4 = vector.load %arg1[%get3A_2, %get3A_3] : memref<128x128xf32, #tpu.memory_space<vmem>>, vector<128x128xf32>
    %convert_element_type3A = arith.truncf %get3A_1 : vector<10240x128xf32> to vector<10240x128xbf16>
    %convert_element_type3A_5 = arith.truncf %get3A_4 : vector<128x128xf32> to vector<128x128xbf16>
    %dot_general3A = arith.constant dense<0.000000e+00> : vector<10240x128xf32>
    %dot_general3A_6 = tpu.matmul %convert_element_type3A, %convert_element_type3A_5, %dot_general3A {dimension_numbers = #tpu.dot_dimension_numbers<[1], [0], [0], [1], [0, 0, 1, 1], [], []>, transpose_lhs_hint = false} : vector<10240x128xbf16>, vector<128x128xbf16>, vector<10240x128xf32> -> vector<10240x128xf32>
    %get3A_7 = arith.constant 0 : index
    %get3A_8 = arith.constant 0 : index
    %get3A_9 = vector.load %arg2[%get3A_7, %get3A_8] : memref<8x128xf32, #tpu.memory_space<vmem>>, vector<1x128xf32>
    %add3A = vector.broadcast %get3A_9 : vector<1x128xf32> to vector<10240x128xf32>
    %add3A_10 = arith.addf %dot_general3A_6, %add3A : vector<10240x128xf32>
    %get3A_11 = arith.constant 0 : index
    %get3A_12 = arith.constant 0 : index
    %get3A_13 = vector.load %arg3[%get3A_11, %get3A_12] : memref<128x128xf32, #tpu.memory_space<vmem>>, vector<128x128xf32>
    %convert_element_type3A_14 = arith.truncf %add3A_10 : vector<10240x128xf32> to vector<10240x128xbf16>
    %convert_element_type3A_15 = arith.truncf %get3A_13 : vector<128x128xf32> to vector<128x128xbf16>
    %dot_general3A_16 = arith.constant dense<0.000000e+00> : vector<10240x128xf32>
    %dot_general3A_17 = tpu.matmul %convert_element_type3A_14, %convert_element_type3A_15, %dot_general3A_16 {dimension_numbers = #tpu.dot_dimension_numbers<[1], [0], [0], [1], [0, 0, 1, 1], [], []>, transpose_lhs_hint = false} : vector<10240x128xbf16>, vector<128x128xbf16>, vector<10240x128xf32> -> vector<10240x128xf32>
    %get3A_18 = arith.constant 0 : index
    %get3A_19 = arith.constant 0 : index
    %get3A_20 = vector.load %arg4[%get3A_18, %get3A_19] : memref<8x128xf32, #tpu.memory_space<vmem>>, vector<1x128xf32>
    %add3A_21 = vector.broadcast %get3A_20 : vector<1x128xf32> to vector<10240x128xf32>
    %add3A_22 = arith.addf %dot_general3A_17, %add3A_21 : vector<10240x128xf32>
    %swap3A = arith.constant 0 : index
    %swap3A_23 = arith.constant 0 : index
    %swap3A_24 = vector.load %arg5[%swap3A, %swap3A_23] : memref<10240x128xf32, #tpu.memory_space<vmem>>, vector<10240x128xf32>
    tpu.vector_store %arg5[%swap3A, %swap3A_23], %add3A_22 {strides = array<i32>} : memref<10240x128xf32, #tpu.memory_space<vmem>>, vector<10240x128xf32>,
    return
  }
}

</mosaic_0001>

<sc_bundles>
// kernel: kernel.10.cloned.1.call-start
scs
__scs_entry_jumppad:
0x0: {  	(pc) =	sbr.rel $0x88, $3  }
0x1: {  	(tag) =	ssettag $0x0;
	lr =	simm.s32 $0x1  }
0x2: {  	[smem:$0x3F99] =	sst lr;
	_ =	strace $0xD0000000  }
0x3: {  	_ = 	snop  }
0x4: {  	_ = 	snop  }
0x5: {  	_ = 	snop  }
0x6: {  	_ = 	snop  }
0x7: {  	_ = 	snop  }
__scs_overlays_trampoline_lowered:
0x8: {  	[smem:$0x3FA8] =	sst s0  }
0x9: {  	[smem:$0x3FA9] =	sst s1  }
0xa: {  	[smem:$0x3FAA] =	sst s2  }
0xb: {  	[smem:$0x3FAB] =	sst s3  }
0xc: {  	[smem:$0x3FAC] =	sst s4  }
0xd: {  	[smem:$0x3FAD] =	sst s5  }
0xe: {  	[smem:$0x3FAE] =	sst s6  }
0xf: {  	[smem:$0x3FAF] =	sst s7  }
0x10: {  	[smem:$0x3FB0] =	sst s8  }
0x11: {  	[smem:$0x3FB1] =	sst s9;
	s0 =	simm.s32 @!p0 $0x0  }
0x12: {  	s1 =	sld [smem:$0x3F97];
	s0 =	simm.s32 @p0 $0x1  }
0x13: {  	[smem:$0x3FB2] =	sst s0;
	s0 =	simm.s32 @!p1 $0x0  }
0x14: {  	s2 =	sld [smem:$0x3F96];
	s0 =	simm.s32 @p1 $0x1  }
0x15: {  	[smem:$0x3FB3] =	sst s0;
	s0 =	simm.s32 @!p2 $0x0  }
0x16: {  	s3 =	sld [smem:$0x3FDB];
	s0 =	simm.s32 @p2 $0x1  }
0x17: {  	s4 =	simm.s32 $0x1BF5;
	[smem:$0x3FB5] =	sst s0  }
0x18: {  	s0 =	sld [smem:$0x3F98];
	_ =	swait.ge [sflag:s4], $0x0  }
0x19: {  	s7 =	sld [smem:$0x3F99]  }
0x1a: {  	s8 =	sadd.s32 $0xFFFFE003, lr  }
0x1b: {  	s9 =	sadd.s32 $0xFFFFFEF7, lr;
	s5 =	simm.s32 $0xFFFFFFFF;
	p2 =	slt.u32 s8, $0xFFFFF086  }
0x1c: {  	p1 =	slt.u32 s9, $0xF7A;
	s5 =	simm.s32 @!p2 $0x0  }
0x1d: {  	s5 =	simm.s32 @p1 $0x1;
	p0 =	seq.s32 s7, s2  }
0x1e: {  	s7 =	smul.u32 @!p0 $0xF7A, s2;
	p2 =	seq.s32 @!p0 s5, $0x0  }
0x1f: {  	s9 =	smul.u32 $0xF7A, s1;
	s8 =	simm.s32 @!p0 $0x1BF5;
	p2 =	por !p2, p0  }
0x20: {  	[sflag:s8] =	ssyncset.s32 @!p0 $0xFFFFF086;
	s6 =	sadd.s32 @!p0 s3, s7;
	s7 =	simm.s32 @!p0 $0x108  }
0x21: {  	s3 =	sadd.s32 s3, s9;
	s6 =	sadd.s32 @!p0 $0x88, s6;
	s7 =	simm.s32 @p2 $0x1082  }
0x22: {  	[simem:s7], [sflag:s8] =	dma.local @!p0 [hbm:s6], $0xF7A  }
0x23: {  	s9 =	sor.u32 $0xD0000000, s2;
	s6 =	simm.s32 $0x108;
	_ =	swait.ge @!p0 [sflag:s8], $0x0  }
0x24: {  	s3 =	sadd.s32 $0x88, s3;
	s6 =	simm.s32 @!p1 $0x1082;
	[sflag:s4] =	ssyncset.s32 $0xFFFFF086  }
0x25: {  	[simem:s6], [sflag:s4] =	dma.local [hbm:s3], $0xF7A  }
0x26: {  	[smem:$0x3F99] =	sst s1;
	(tag) =	ssettag s2;
	_ =	strace s9  }
0x27: {  	s1 =	sld [smem:$0x3FA9]  }
0x28: {  	s2 =	sld [smem:$0x3FAA]  }
0x29: {  	s4 =	sld [smem:$0x3FAC]  }
0x2a: {  	p0 =	seq.s32 s5, $0x0;
	s5 =	sld [smem:$0x3FAD]  }
0x2b: {  	s6 =	sld [smem:$0x3FAE]  }
0x2c: {  	s7 =	sld [smem:$0x3FAF]  }
0x2d: {  	s3 =	simm.s32 $0x108;
	s8 =	sld [smem:$0x3FB0]  }
0x2e: {  	s3 =	simm.s32 @!p0 $0x1082;
	s9 =	sld [smem:$0x3FB1]  }
0x2f: {  	lr =	sadd.s32 s0, s3;
	s0 =	sld [smem:$0x3FA8]  }
0x30: {  	s3 =	sld [smem:$0x3FAB]  }
0x31: {  	[smem:$0x3FB4] =	sst s10  }
0x32: {  	s10 =	sld [smem:$0x3FB2];
	_ =	sdelay $0x3  }
0x33: {  	p0 =	seq.s32 s10, $0x1;
	s10 =	sld [smem:$0x3FB4];
	_ =	sdelay $0x3  }
0x34: {  	[smem:$0x3FB4] =	sst s10  }
0x35: {  	s10 =	sld [smem:$0x3FB3];
	_ =	sdelay $0x3  }
0x36: {  	p1 =	seq.s32 s10, $0x1;
	s10 =	sld [smem:$0x3FB4];
	_ =	sdelay $0x3  }
0x37: {  	[smem:$0x3FB4] =	sst s10  }
0x38: {  	s10 =	sld [smem:$0x3FB5]  }
0x39: {  	_ = 	snop;
	(pc) =	sbr.ind lr, $3  }
0x3a: {  	_ = 	snop  }
0x3b: {  	_ = 	snop  }
0x3c: {  	p2 =	seq.s32 s10, $0x1;
	s10 =	sld [smem:$0x3FB4]  }
0x3d: {  	_ =	shalt  }
0x3e: {  	_ =	shalt  }
0x3f: {  	_ =	shalt  }
0x40: {  	_ =	shalt  }
0x41: {  	_ =	shalt  }
0x42: {  	_ =	shalt  }
0x43: {  	_ =	shalt  }
0x44: {  	_ =	shalt  }
0x45: {  	_ =	shalt  }
0x46: {  	_ =	shalt  }
0x47: {  	_ =	shalt  }
0x48: {  	_ =	shalt  }
0x49: {  	_ =	shalt  }
0x4a: {  	_ =	shalt  }
0x4b: {  	_ =	shalt  }
0x4c: {  	_ =	shalt  }
0x4d: {  	_ =	shalt  }
0x4e: {  	_ =	shalt  }
0x4f: {  	_ =	shalt  }
0x50: {  	_ =	shalt  }
0x51: {  	_ =	shalt  }
0x52: {  	_ =	shalt  }
0x53: {  	_ =	shalt  }
0x54: {  	_ =	shalt  }
0x55: {  	_ =	shalt  }
0x56: {  	_ =	shalt  }
0x57: {  	_ =	shalt  }
0x58: {  	_ =	shalt  }
0x59: {  	_ =	shalt  }
0x5a: {  	_ =	shalt  }
0x5b: {  	_ =	shalt  }
0x5c: {  	_ =	shalt  }
0x5d: {  	_ =	shalt  }
0x5e: {  	_ =	shalt  }
0x5f: {  	_ =	shalt  }
0x60: {  	_ =	shalt  }
0x61: {  	_ =	shalt  }
0x62: {  	_ =	shalt  }
0x63: {  	_ =	shalt  }
0x64: {  	_ =	shalt  }
0x65: {  	_ =	shalt  }
0x66: {  	_ =	shalt  }
0x67: {  	_ =	shalt  }
0x68: {  	_ =	shalt  }
0x69: {  	_ =	shalt  }
0x6a: {  	_ =	shalt  }
0x6b: {  	_ =	shalt  }
0x6c: {  	_ =	shalt  }
0x6d: {  	_ =	shalt  }
0x6e: {  	_ =	shalt  }
0x6f: {  	_ =	shalt  }
0x70: {  	_ =	shalt  }
0x71: {  	_ =	shalt  }
0x72: {  	_ =	shalt  }
0x73: {  	_ =	shalt  }
0x74: {  	_ =	shalt  }
0x75: {  	_ =	shalt  }
0x76: {  	_ =	shalt  }
0x77: {  	_ =	shalt  }
0x78: {  	_ =	shalt  }
0x79: {  	_ =	shalt  }
0x7a: {  	_ =	shalt  }
0x7b: {  	_ =	shalt  }
0x7c: {  	_ =	shalt  }
0x7d: {  	_ =	shalt  }
0x7e: {  	_ =	shalt  }
0x7f: {  	_ =	shalt  }
0x80: {  	_ =	shalt  }
0x81: {  	_ =	shalt  }
0x82: {  	_ =	shalt  }
0x83: {  	_ =	shalt  }
0x84: {  	_ =	shalt  }
0x85: {  	_ =	shalt  }
0x86: {  	_ =	shalt  }
0x87: {  	_ =	shalt  }
.Lfunc_end0:
.L_simem_size_0:
called_computation.1_lowered:
.L_overlay_start_0:
0x88: {  	s2 =	sld [smem:$0x3FD9]  }
0x89: {  	s3 =	sld [smem:$0x3FFE];
	_ =	sdelay $0x1  }
0x8a: {  	s1 =	srdreg.scid  }
0x8b: {  	s0 =	sand.u32 $0x1, s1  }
0x8c: {  	s16 =	sshll.u32 s0, $0xA;
	s2 =	sadd.s32 s3, s2  }
0x8d: {  	s2 =	sadd.s32 s2, s16  }
0x8e: {  	[smem:$0x3FC0] =	sst s2  }
0x8f: {  	_ = 	snop  }
0x90: {  	(tm) =	ssettm $0x1  }
0x91: {  	s17 =	sld [smem:$0x3FFB];
	_ =	sdelay $0x3  }
0x92: {  	_ =	strace s17  }
0x93: {  	s2 =	sld [smem:$0x3FFC];
	_ =	sdelay $0x3  }
0x94: {  	_ =	strace s2  }
0x95: {  	s2 =	sld [smem:$0x3FFD];
	_ =	sdelay $0x3  }
0x96: {  	_ =	strace s2  }
0x97: {  	_ =	strace $0x8FFFFFFF  }
0x98: {  	s18 =	sld [smem:$0x3FDB];
	_ =	sdelay $0x1  }
0x99: {  	s19 =	simm.s32 $_scs_section_size  }
0x9a: {  	s4 =	simm.s32 $_size__tile_overlayer_lowered;
	s5 =	simm.s32 $_tile_overlayer_lowered  }
0x9b: {  	s22 =	simm.s32 $0x1BFF;
	s21 =	sshll.u32 s5, $0x1;
	s2 =	sadd.s32 s19, s18  }
0x9c: {  	s6 =	simm.s32 $0x0;
	s20 =	sshll.u32 s4, $0x1;
	s4 =	sadd.s32 s21, s2  }
0x9d: {  	[timem:s6], [sflag:s22] =	dma.local [hbm:s4], s20  }
0x9e: {  	_ =	swait.ge [sflag:s22], s20  }
0x9f: {  	s3 =	ssub.s32 $0x0, s20;
	[sflag:s22] =	ssyncset.done $0x0  }
0xa0: {  	[sflag:s22] =	ssyncadd.s32 s3;
	_ =	sdelay $0x1  }
0xa1: {  	s23 =	simm.s32 $0x1B8B  }
0xa2: {  	_ =	swait.ge [sflag:s23], $0x1  }
0xa3: {  	[sflag:s23] =	ssyncset.done $0x0  }
0xa4: {  	s25 =	simm.s32 $0x1B8E;
	s24 =	sld [smem:$0x3FFE];
	[sflag:s23] =	ssyncadd.s32 $0xFFFFFFFF  }
0xa5: {  	s26 =	simm.s32 $execute0_lowered;
	[smem:$0x3FD2] =	sst s25  }
0xa6: {  	s4 =	sshll.u32 s26, $0x1;
	_ =	strace $0x80000049;
	[dreg:$0x1] =	wrdreg $0xFFFFFFFF  }
0xa7: {  	s28 =	simm.s32 $_size_execute0_lowered;
	s2 =	sadd.s32 s2, s4;
	[dreg:$0x0] =	wrdreg $0x0  }
0xa8: {  	s4 =	sshll.u32 s28, $0x1;
	[dreg:$0x2] =	wrdreg s2  }
0xa9: {  	[dreg:$0x3] =	wrdreg s4  }
0xaa: {  	[dreg:$0x4] =	wrdreg $0xC0  }
0xab: {  	_ =	task [dreg:s6], $0x5FFFF  }
0xac: {  	[dreg:$0x1] =	wrdreg $0xFFFFFFFF  }
0xad: {  	[dreg:$0x0] =	wrdreg $0x60  }
0xae: {  	[dreg:$0x2] =	wrdreg s24  }
0xaf: {  	[dreg:$0x3] =	wrdreg $0x11E000  }
0xb0: {  	[dreg:$0x4] =	wrdreg $0x9  }
0xb1: {  	_ =	task.clear_ibuf [dreg:s6], $0x5FFFF;
	_ =	strace $0x90000049  }
0xb2: {  	s29 =	simm.s32 $0x9;
	_ =	strace $0x8000004B  }
0xb3: {  	_ =	swait.ge [sflag:s29], $0x1  }
0xb4: {  	[sflag:s29] =	ssyncadd.s32 $0xFFFFFFFF  }
0xb5: {  	_ =	strace $0x9000004B  }
0xb6: {  	_ =	sfence  }
0xb7: {  	s30 =	sld [smem:$0x0];
	_ =	sdelay $0x2  }
0xb8: {  	s31 =	sshll.u32 s1, $0xD;
	s1 =	sshrl.u32 s1, $0x2  }
0xb9: {  	s3 =	sand.u32 $0x4000, s31;
	s1 =	sadd.s32 s1, s30  }
0xba: {  	s0 =	sor.u32 s3, s0;
	s1 =	sshll.u32 s1, $0x11  }
0xbb: {  	s0 =	sor.u32 s1, s0  }
0xbc: {  	s0 =	sadd.s32 $0x8F2B, s0  }
0xbd: {  	[sflag:s0] =	ssyncadd.remote.s32 $0x1  }
0xbe: {  	_ =	sfence.sel $0xFFFF  }
0xbf: {  	[dreg:$0x0] =	wrdreg $0xFFFFFFFF;
	(pc) =	sbr.abs _section_cstart, $3  }
0xc0: {  	[dreg:$0x1] =	wrdreg $0xFFFFFFFF  }
0xc1: {  	_ =	task.clear_ibuf [dreg:s6], $0x2FFFF;
	_ =	strace $0x9FFFFFFF  }
0xc2: {  	(tm) =	ssettm $0x7FFFFFFF  }
0xc3: {  	_ =	shalt  }
tec
execute0_lowered:
.L_overlay_start_1:
0x0: {  	(tag) =	ssettag $0x1  }
0x1: {  	s5 =	rddreg [dreg:$0x0]  }
0x2: {  	s2 =	rddreg [dreg:$0x1]  }
0x3: {  	s0 =	rddreg [dreg:$0x2]  }
0x4: {  	s1 =	stileid.u32;
	s4 =	srdreg.scid  }
0x5: {  	s3 =	simm.s32 $0x0;
	s15 =	simm.s32 $0x9E00;
	s6 =	smul.u32 $0x1480, s1  }
0x6: {  	s16 =	simm.s32 $0xDE00;
	s17 =	simm.s32 $0x1;
	s7 =	smul.u32 $0x4F00, s1  }
0x7: {  	s18 =	simm.s32 $0x2;
	s19 =	simm.s32 $0x3;
	s24 =	smul.u32 $0x1400, s1  }
0x8: {  	s21 =	simm.s32 $0x0;
	s8 =	sand.u32 $0x1, s4;
	s25 =	smul.u32 $0x29000, s1  }
0x9: {  	[smem:$0x7FF] =	sst s3;
	s4 =	sadd.s32 $0x28600, s5;
	s29 =	smul.u32 $0x28000, s1  }
0xa: {  	s30 =	sshll.u32 s1, $0x6;
	s9 =	smul.u32 $0x4F000, s8;
	_ =	strace $0x8000004A  }
0xb: {  	s10 =	smul.u32 $0x14000, s8;
	s8 =	ssub.s32 $0x2, s8;
	s11 =	sshrl.u32 s7, $0x3  }
0xc: {  	s6 =	sadd.s32 s6, s5;
	s26 =	sshrl.u32 s8, $0x1;
	s28 =	sshrl.u32 s25, $0x2  }
0xd: {  	s31 =	sshrl.u32 s29, $0x2;
	s7 =	sadd.s32 s7, s9;
	s11 =	sadd.s32 s11, s5  }
0xe: {  	s9 =	sadd.s32 s24, s10;
	s13 =	ssub.s32 s8, s26;
	s14 =	sadd.s32 s28, s2  }
0xf: {  	s20 =	sadd.s32 s31, s2;
	s7 =	sshrl.u32 s7, $0x3;
	s9 =	sadd.s32 s9, s5  }
0x10: {  	s10 =	smax.u32 s13, $0x1;
	s13 =	simm.s32 $0x4F00;
	s20 =	sshrl.u32 s20, $0x3  }
0x11: {  	s12 =	sadd.s32 s7, s5;
	s5 =	sadd.s32 $0x50600, s6;
	s6 =	sor.u32 $0x1C04, s30  }
0x12: {  	s7 =	sadd.s32 $0x1E800, s11;
	s9 =	sadd.s32 $0x78600, s9;
	s11 =	sshrl.u32 s14, $0x3  }
0x13: {  	s14 =	simm.s32 $0x80;
	s8 =	sadd.s32 $0xAC00, s12;
	s12 =	simm.s32 $0x4  }
.LBB2_1:
0x14: {  	[spmem:s11], [sflag:s6] =	dma.local [hbm:s5], $0x1480  }
0x15: {  	_ =	swait.ge [sflag:s12], $0x1480  }
0x16: {  	[sflag:s12] =	ssyncset.done $0x0  }
0x17: {  	[sflag:s12] =	ssyncadd.s32 $0xFFFFEB80  }
0x18: {  	[tilespmem:s3], [sflag:$0x4] =	stream.linear.gather [hbm4b:s7+s3], $0x4F00, $0x38;
	[tilespmem:$0x1C200] =	vst v63  }
0x19: {  	_ =	swait.ge [sflag:s12], $0x4F00  }
0x1a: {  	[sflag:s12] =	ssyncset.done $0x0  }
0x1b: {  	[sflag:s12] =	ssyncadd.s32 $0xFFFFB100  }
0x1c: {  	[tilespmem:s13], [sflag:$0x4] =	stream.linear.gather [hbm4b:s8+s3], $0x4F00, $0x38;
	[tilespmem:$0x1C200] =	vst v63  }
0x1d: {  	_ =	swait.ge [sflag:s12], $0x4F00  }
0x1e: {  	[sflag:s12] =	ssyncset.done $0x0  }
0x1f: {  	[sflag:s12] =	ssyncadd.s32 $0xFFFFB100  }
0x20: {  	s22 =	simm.s32 $0x0;
	[bflag:$0x0] =	sbarrier.arrive $0xFFFF  }
0x21: {  	[tilespmem:s15], [sflag:$0x1] =	stream.indirect.gather [hbm4b:s4+s14], $0x80, s22, s14, $0xb8;
	[tilespmem:$0x1C200] =	vst v63  }
0x22: {  	s29 =	simm.s32 $0x80  }
0x23: {  	[tilespmem:s16], [sflag:$0x2] =	stream.indirect.gather [hbm4b:s4+s14], $0x80, s29, s14, $0xb8;
	[tilespmem:$0x1C200] =	vst v63  }
0x24: {  	_ =	swait.ge [sflag:s17], $0x4000  }
0x25: {  	[sflag:s17] =	ssyncset.done $0x0  }
0x26: {  	s30 =	simm.s32 $0x4F00;
	[sflag:s17] =	ssyncadd.s32 $0xFFFFC000  }
0x27: {  	[spmem:s2] =	stream.indirect.scatter.add.f32 [tilespmem:s15], [sflag:$0x3], $0x80, s30, s14, $0xb8;
	[tilespmem:$0x1C200] =	vst v63  }
0x28: {  	_ =	swait.ge [sflag:s18], $0x4000  }
0x29: {  	[sflag:s18] =	ssyncset.done $0x0  }
0x2a: {  	[sflag:s18] =	ssyncadd.s32 $0xFFFFC000  }
0x2b: {  	_ =	swait.ge [sflag:s19], $0x4000  }
0x2c: {  	[sflag:s19] =	ssyncset.done $0x0  }
0x2d: {  	s31 =	simm.s32 $0x4F80;
	[sflag:s19] =	ssyncadd.s32 $0xFFFFC000  }
0x2e: {  	[spmem:s2] =	stream.indirect.scatter.add.f32 [tilespmem:s16], [sflag:$0x4], $0x80, s31, s14, $0xb8;
	[tilespmem:$0x1C200] =	vst v63  }
0x2f: {  	_ =	swait.ge [sflag:s12], $0x4000  }
0x30: {  	s23 =	simm.s32 $0x800;
	s22 =	simm.s32 $0x400;
	[sflag:s12] =	ssyncset.done $0x0  }
.LBB2_2:
0x31: {  	s24 =	sshra.s32 s22, $0x2  }
0x32: {  	[sflag:s12] =	ssyncadd.s32 $0xFFFFC000;
	s22 =	smov.u32 s23;
	s25 =	sadd.s32 $0x400, s23  }
0x33: {  	[tilespmem:s15], [sflag:$0x1] =	stream.indirect.gather [hbm4b:s4+s14], $0x80, s24, s14, $0xb8;
	[tilespmem:$0x1C200] =	vst v63  }
0x34: {  	p0 =	sne.s32 s23, $0x13800;
	s23 =	sadd.s32 $0x80, s24  }
0x35: {  	[tilespmem:s16], [sflag:$0x2] =	stream.indirect.gather [hbm4b:s4+s14], $0x80, s23, s14, $0xb8;
	[tilespmem:$0x1C200] =	vst v63  }
0x36: {  	_ =	swait.ge [sflag:s17], $0x4000  }
0x37: {  	[sflag:s17] =	ssyncset.done $0x0  }
0x38: {  	s23 =	sadd.s32 $0x4F00, s24;
	[sflag:s17] =	ssyncadd.s32 $0xFFFFC000  }
0x39: {  	[spmem:s2] =	stream.indirect.scatter.add.f32 [tilespmem:s15], [sflag:$0x3], $0x80, s23, s14, $0xb8;
	[tilespmem:$0x1C200] =	vst v63  }
0x3a: {  	_ =	swait.ge [sflag:s18], $0x4000  }
0x3b: {  	[sflag:s18] =	ssyncset.done $0x0  }
0x3c: {  	[sflag:s18] =	ssyncadd.s32 $0xFFFFC000  }
0x3d: {  	_ =	swait.ge [sflag:s19], $0x4000  }
.Ltmp0:
0x3e: {  	[sflag:s19] =	ssyncset.done $0x0;
	(pc) =	sbr.rel @p0 .LBB2_2-.Ltmp0, $4  }
0x3f: {  	s23 =	sadd.s32 $0x4F80, s24;
	[sflag:s19] =	ssyncadd.s32 $0xFFFFC000  }
0x40: {  	[spmem:s2] =	stream.indirect.scatter.add.f32 [tilespmem:s16], [sflag:$0x4], $0x80, s23, s14, $0xb8;
	[tilespmem:$0x1C200] =	vst v63  }
0x41: {  	_ =	swait.ge [sflag:s12], $0x4000  }
0x42: {  	s23 =	smov.u32 s25;
	[sflag:s12] =	ssyncset.done $0x0  }
0x43: {  	s22 =	sshra.s32 s22, $0x2;
	[sflag:s12] =	ssyncadd.s32 $0xFFFFC000  }
0x44: {  	[tilespmem:s15], [sflag:$0x1] =	stream.indirect.gather [hbm4b:s4+s14], $0x80, s22, s14, $0xb8;
	[tilespmem:$0x1C200] =	vst v63  }
0x45: {  	s23 =	sadd.s32 $0x80, s22  }
0x46: {  	[tilespmem:s16], [sflag:$0x2] =	stream.indirect.gather [hbm4b:s4+s14], $0x80, s23, s14, $0xb8;
	[tilespmem:$0x1C200] =	vst v63  }
0x47: {  	_ =	swait.ge [sflag:s17], $0x4000  }
0x48: {  	[sflag:s17] =	ssyncset.done $0x0  }
0x49: {  	s31 =	sadd.s32 $0x4F00, s22;
	[sflag:s17] =	ssyncadd.s32 $0xFFFFC000  }
0x4a: {  	[spmem:s2] =	stream.indirect.scatter.add.f32 [tilespmem:s15], [sflag:$0x3], $0x80, s31, s14, $0xb8;
	[tilespmem:$0x1C200] =	vst v63  }
0x4b: {  	_ =	swait.ge [sflag:s18], $0x4000  }
0x4c: {  	[sflag:s18] =	ssyncset.done $0x0  }
0x4d: {  	[sflag:s18] =	ssyncadd.s32 $0xFFFFC000  }
0x4e: {  	_ =	swait.ge [sflag:s19], $0x4000  }
0x4f: {  	[sflag:s19] =	ssyncset.done $0x0  }
0x50: {  	s22 =	sadd.s32 $0x4F80, s22;
	[sflag:s19] =	ssyncadd.s32 $0xFFFFC000  }
0x51: {  	[spmem:s2] =	stream.indirect.scatter.add.f32 [tilespmem:s16], [sflag:$0x4], $0x80, s22, s14, $0xb8;
	[tilespmem:$0x1C200] =	vst v63  }
0x52: {  	_ =	swait.ge [sflag:s12], $0x4000  }
0x53: {  	s21 =	sadd.s32 $0x1, s21;
	[sflag:s12] =	ssyncset.done $0x0  }
0x54: {  	p0 =	sne.s32 s21, s10;
	[sflag:s12] =	ssyncadd.s32 $0xFFFFC000  }
.Ltmp1:
0x55: {  	[bflag:$0x0] =	sbarrier.arrive $0xFFFF;
	(pc) =	sbr.rel @p0 .LBB2_1-.Ltmp1, $4  }
0x56: {  	[hbm:s9], [sflag:s6] =	dma.local [spmem:s20], $0x1400  }
0x57: {  	_ =	swait.ge [sflag:s12], $0x1400  }
0x58: {  	[sflag:s12] =	ssyncset.done $0x0  }
0x59: {  	[sflag:s12] =	ssyncadd.s32 $0xFFFFEC00  }
0x5a: {  	_ =	sfence.sel $0x180000  }
0x5b: {  	[bflag:$0x0] =	sbarrier.arrive $0xFFFF  }
0x5c: {  	p0 =	sne.s32 s1, $0x0;
	_ =	strace $0x9000004A  }
0x5d: {  	s0 =	sadd.s32 @!p0 $0x100000, s0;
	[bflag:$0x2] =	sbarrier.arrive $0xFFFF  }
0x5e: {  	[sflag:s0] =	ssyncadd.tile.s32 @!p0 $0x1;
	_ =	shalt  }
.Lfunc_end2:
_tile_overlayer_lowered:
.L_overlay_start_2:
0x5f: {  	(tag) =	ssettag $0x2  }
0x60: {  	s0 =	rddreg [dreg:$0x0];
	s2 =	stileid.u32  }
0x61: {  	s1 =	rddreg [dreg:$0x1];
	p0 =	sne.s32 s2, $0x0  }
0x62: {  	s3 =	rddreg [dreg:$0x2];
	[bflag:$0x3] =	sbarrier.arrive $0xFFFF;
	s2 =	simm.s32 @!p0 $0x1C04  }
0x63: {  	[timem:s3], [sflag:s2] =	dma.local @!p0 [hbm:s0], s1  }
0x64: {  	s0 =	simm.s32 @!p0 $0x4  }
0x65: {  	_ =	swait.ge @!p0 [sflag:s0], s1  }
0x66: {  	s1 =	ssub.s32 @!p0 $0x0, s1;
	[sflag:s0] =	ssyncset.done @!p0 $0x0  }
0x67: {  	[sflag:s0] =	ssyncadd.s32 @!p0 s1  }
0x68: {  	[bflag:$0x3] =	sbarrier.arrive $0xFFFF  }
0x69: {  	_ =	shalt  }

// kernel: kernel.13.cloned.1.call-start
scs
__scs_entry_jumppad:
0x0: {  	(pc) =	sbr.rel $0x88, $3  }
0x1: {  	(tag) =	ssettag $0x0;
	lr =	simm.s32 $0x1  }
0x2: {  	[smem:$0x3F99] =	sst lr;
	_ =	strace $0xD0000000  }
0x3: {  	_ = 	snop  }
0x4: {  	_ = 	snop  }
0x5: {  	_ = 	snop  }
0x6: {  	_ = 	snop  }
0x7: {  	_ = 	snop  }
__scs_overlays_trampoline_lowered:
0x8: {  	[smem:$0x3FA8] =	sst s0  }
0x9: {  	[smem:$0x3FA9] =	sst s1  }
0xa: {  	[smem:$0x3FAA] =	sst s2  }
0xb: {  	[smem:$0x3FAB] =	sst s3  }
0xc: {  	[smem:$0x3FAC] =	sst s4  }
0xd: {  	[smem:$0x3FAD] =	sst s5  }
0xe: {  	[smem:$0x3FAE] =	sst s6  }
0xf: {  	[smem:$0x3FAF] =	sst s7  }
0x10: {  	[smem:$0x3FB0] =	sst s8  }
0x11: {  	[smem:$0x3FB1] =	sst s9;
	s0 =	simm.s32 @!p0 $0x0  }
0x12: {  	s1 =	sld [smem:$0x3F97];
	s0 =	simm.s32 @p0 $0x1  }
0x13: {  	[smem:$0x3FB2] =	sst s0;
	s0 =	simm.s32 @!p1 $0x0  }
0x14: {  	s2 =	sld [smem:$0x3F96];
	s0 =	simm.s32 @p1 $0x1  }
0x15: {  	[smem:$0x3FB3] =	sst s0;
	s0 =	simm.s32 @!p2 $0x0  }
0x16: {  	s3 =	sld [smem:$0x3FDB];
	s0 =	simm.s32 @p2 $0x1  }
0x17: {  	s4 =	simm.s32 $0x1BF5;
	[smem:$0x3FB5] =	sst s0  }
0x18: {  	s0 =	sld [smem:$0x3F98];
	_ =	swait.ge [sflag:s4], $0x0  }
0x19: {  	s7 =	sld [smem:$0x3F99]  }
0x1a: {  	s8 =	sadd.s32 $0xFFFFE003, lr  }
0x1b: {  	s9 =	sadd.s32 $0xFFFFFEF7, lr;
	s5 =	simm.s32 $0xFFFFFFFF;
	p2 =	slt.u32 s8, $0xFFFFF086  }
0x1c: {  	p1 =	slt.u32 s9, $0xF7A;
	s5 =	simm.s32 @!p2 $0x0  }
0x1d: {  	s5 =	simm.s32 @p1 $0x1;
	p0 =	seq.s32 s7, s2  }
0x1e: {  	s7 =	smul.u32 @!p0 $0xF7A, s2;
	p2 =	seq.s32 @!p0 s5, $0x0  }
0x1f: {  	s9 =	smul.u32 $0xF7A, s1;
	s8 =	simm.s32 @!p0 $0x1BF5;
	p2 =	por !p2, p0  }
0x20: {  	[sflag:s8] =	ssyncset.s32 @!p0 $0xFFFFF086;
	s6 =	sadd.s32 @!p0 s3, s7;
	s7 =	simm.s32 @!p0 $0x108  }
0x21: {  	s3 =	sadd.s32 s3, s9;
	s6 =	sadd.s32 @!p0 $0x88, s6;
	s7 =	simm.s32 @p2 $0x1082  }
0x22: {  	[simem:s7], [sflag:s8] =	dma.local @!p0 [hbm:s6], $0xF7A  }
0x23: {  	s9 =	sor.u32 $0xD0000000, s2;
	s6 =	simm.s32 $0x108;
	_ =	swait.ge @!p0 [sflag:s8], $0x0  }
0x24: {  	s3 =	sadd.s32 $0x88, s3;
	s6 =	simm.s32 @!p1 $0x1082;
	[sflag:s4] =	ssyncset.s32 $0xFFFFF086  }
0x25: {  	[simem:s6], [sflag:s4] =	dma.local [hbm:s3], $0xF7A  }
0x26: {  	[smem:$0x3F99] =	sst s1;
	(tag) =	ssettag s2;
	_ =	strace s9  }
0x27: {  	s1 =	sld [smem:$0x3FA9]  }
0x28: {  	s2 =	sld [smem:$0x3FAA]  }
0x29: {  	s4 =	sld [smem:$0x3FAC]  }
0x2a: {  	p0 =	seq.s32 s5, $0x0;
	s5 =	sld [smem:$0x3FAD]  }
0x2b: {  	s6 =	sld [smem:$0x3FAE]  }
0x2c: {  	s7 =	sld [smem:$0x3FAF]  }
0x2d: {  	s3 =	simm.s32 $0x108;
	s8 =	sld [smem:$0x3FB0]  }
0x2e: {  	s3 =	simm.s32 @!p0 $0x1082;
	s9 =	sld [smem:$0x3FB1]  }
0x2f: {  	lr =	sadd.s32 s0, s3;
	s0 =	sld [smem:$0x3FA8]  }
0x30: {  	s3 =	sld [smem:$0x3FAB]  }
0x31: {  	[smem:$0x3FB4] =	sst s10  }
0x32: {  	s10 =	sld [smem:$0x3FB2];
	_ =	sdelay $0x3  }
0x33: {  	p0 =	seq.s32 s10, $0x1;
	s10 =	sld [smem:$0x3FB4];
	_ =	sdelay $0x3  }
0x34: {  	[smem:$0x3FB4] =	sst s10  }
0x35: {  	s10 =	sld [smem:$0x3FB3];
	_ =	sdelay $0x3  }
0x36: {  	p1 =	seq.s32 s10, $0x1;
	s10 =	sld [smem:$0x3FB4];
	_ =	sdelay $0x3  }
0x37: {  	[smem:$0x3FB4] =	sst s10  }
0x38: {  	s10 =	sld [smem:$0x3FB5]  }
0x39: {  	_ = 	snop;
	(pc) =	sbr.ind lr, $3  }
0x3a: {  	_ = 	snop  }
0x3b: {  	_ = 	snop  }
0x3c: {  	p2 =	seq.s32 s10, $0x1;
	s10 =	sld [smem:$0x3FB4]  }
0x3d: {  	_ =	shalt  }
0x3e: {  	_ =	shalt  }
0x3f: {  	_ =	shalt  }
0x40: {  	_ =	shalt  }
0x41: {  	_ =	shalt  }
0x42: {  	_ =	shalt  }
0x43: {  	_ =	shalt  }
0x44: {  	_ =	shalt  }
0x45: {  	_ =	shalt  }
0x46: {  	_ =	shalt  }
0x47: {  	_ =	shalt  }
0x48: {  	_ =	shalt  }
0x49: {  	_ =	shalt  }
0x4a: {  	_ =	shalt  }
0x4b: {  	_ =	shalt  }
0x4c: {  	_ =	shalt  }
0x4d: {  	_ =	shalt  }
0x4e: {  	_ =	shalt  }
0x4f: {  	_ =	shalt  }
0x50: {  	_ =	shalt  }
0x51: {  	_ =	shalt  }
0x52: {  	_ =	shalt  }
0x53: {  	_ =	shalt  }
0x54: {  	_ =	shalt  }
0x55: {  	_ =	shalt  }
0x56: {  	_ =	shalt  }
0x57: {  	_ =	shalt  }
0x58: {  	_ =	shalt  }
0x59: {  	_ =	shalt  }
0x5a: {  	_ =	shalt  }
0x5b: {  	_ =	shalt  }
0x5c: {  	_ =	shalt  }
0x5d: {  	_ =	shalt  }
0x5e: {  	_ =	shalt  }
0x5f: {  	_ =	shalt  }
0x60: {  	_ =	shalt  }
0x61: {  	_ =	shalt  }
0x62: {  	_ =	shalt  }
0x63: {  	_ =	shalt  }
0x64: {  	_ =	shalt  }
0x65: {  	_ =	shalt  }
0x66: {  	_ =	shalt  }
0x67: {  	_ =	shalt  }
0x68: {  	_ =	shalt  }
0x69: {  	_ =	shalt  }
0x6a: {  	_ =	shalt  }
0x6b: {  	_ =	shalt  }
0x6c: {  	_ =	shalt  }
0x6d: {  	_ =	shalt  }
0x6e: {  	_ =	shalt  }
0x6f: {  	_ =	shalt  }
0x70: {  	_ =	shalt  }
0x71: {  	_ =	shalt  }
0x72: {  	_ =	shalt  }
0x73: {  	_ =	shalt  }
0x74: {  	_ =	shalt  }
0x75: {  	_ =	shalt  }
0x76: {  	_ =	shalt  }
0x77: {  	_ =	shalt  }
0x78: {  	_ =	shalt  }
0x79: {  	_ =	shalt  }
0x7a: {  	_ =	shalt  }
0x7b: {  	_ =	shalt  }
0x7c: {  	_ =	shalt  }
0x7d: {  	_ =	shalt  }
0x7e: {  	_ =	shalt  }
0x7f: {  	_ =	shalt  }
0x80: {  	_ =	shalt  }
0x81: {  	_ =	shalt  }
0x82: {  	_ =	shalt  }
0x83: {  	_ =	shalt  }
0x84: {  	_ =	shalt  }
0x85: {  	_ =	shalt  }
0x86: {  	_ =	shalt  }
0x87: {  	_ =	shalt  }
.Lfunc_end0:
.L_simem_size_0:
called_computation.2_lowered:
.L_overlay_start_0:
0x88: {  	s2 =	sld [smem:$0x3FD9]  }
0x89: {  	s3 =	sld [smem:$0x3FFE];
	_ =	sdelay $0x1  }
0x8a: {  	s1 =	srdreg.scid  }
0x8b: {  	s0 =	sand.u32 $0x1, s1  }
0x8c: {  	s17 =	sshll.u32 s0, $0xA;
	s2 =	sadd.s32 s3, s2  }
0x8d: {  	s2 =	sadd.s32 s2, s17  }
0x8e: {  	[smem:$0x3FC0] =	sst s2  }
0x8f: {  	_ = 	snop  }
0x90: {  	s2 =	sld [smem:$0x3FD0];
	(tm) =	ssettm $0x1  }
0x91: {  	s18 =	sld [smem:$0x3FFB];
	_ =	sdelay $0x3  }
0x92: {  	_ =	strace s18  }
0x93: {  	s3 =	sld [smem:$0x3FFC];
	_ =	sdelay $0x3  }
0x94: {  	_ =	strace s3  }
0x95: {  	s3 =	sld [smem:$0x3FFD];
	_ =	sdelay $0x3  }
0x96: {  	_ =	strace s3  }
0x97: {  	_ =	strace $0x8FFFFFFF  }
0x98: {  	s19 =	sld [smem:$0x3FDB];
	_ =	sdelay $0x1  }
0x99: {  	s4 =	simm.s32 $_scs_section_size  }
0x9a: {  	s5 =	simm.s32 $_size__tile_overlayer_lowered;
	s6 =	simm.s32 $_tile_overlayer_lowered  }
0x9b: {  	s22 =	simm.s32 $0x1BFF;
	s21 =	sshll.u32 s6, $0x1;
	s3 =	sadd.s32 s4, s19  }
0x9c: {  	s7 =	simm.s32 $0x0;
	s20 =	sshll.u32 s5, $0x1;
	s5 =	sadd.s32 s21, s3  }
0x9d: {  	[timem:s7], [sflag:s22] =	dma.local [hbm:s5], s20  }
0x9e: {  	_ =	swait.ge [sflag:s22], s20  }
0x9f: {  	s4 =	ssub.s32 $0x0, s20;
	[sflag:s22] =	ssyncset.done $0x0  }
0xa0: {  	[sflag:s22] =	ssyncadd.s32 s4;
	_ =	sdelay $0x1  }
0xa1: {  	s23 =	simm.s32 $0x1B8B  }
0xa2: {  	_ =	swait.ge [sflag:s23], $0x1  }
0xa3: {  	[sflag:s23] =	ssyncset.done $0x0  }
0xa4: {  	s25 =	simm.s32 $0x1B8E;
	s24 =	sld [smem:$0x3FFE];
	[sflag:s23] =	ssyncadd.s32 $0xFFFFFFFF  }
0xa5: {  	s26 =	simm.s32 $execute0_lowered;
	[smem:$0x3FD2] =	sst s25  }
0xa6: {  	s5 =	sshll.u32 s26, $0x1;
	_ =	strace $0x8000004C;
	[dreg:$0x1] =	wrdreg $0xFFFFFFFF  }
0xa7: {  	s28 =	simm.s32 $_size_execute0_lowered;
	s3 =	sadd.s32 s3, s5;
	[dreg:$0x0] =	wrdreg $0x0  }
0xa8: {  	s5 =	sshll.u32 s28, $0x1;
	[dreg:$0x2] =	wrdreg s3  }
0xa9: {  	[dreg:$0x3] =	wrdreg s5  }
0xaa: {  	[dreg:$0x4] =	wrdreg $0xC0  }
0xab: {  	_ =	task [dreg:s7], $0x5FFFF  }
0xac: {  	[dreg:$0x1] =	wrdreg $0xFFFFFFFF  }
0xad: {  	[dreg:$0x0] =	wrdreg $0x60  }
0xae: {  	[dreg:$0x2] =	wrdreg s24  }
0xaf: {  	[dreg:$0x3] =	wrdreg s2  }
0xb0: {  	[dreg:$0x4] =	wrdreg $0xC5800  }
0xb1: {  	[dreg:$0x5] =	wrdreg $0xC8000  }
0xb2: {  	[dreg:$0x6] =	wrdreg $0x9  }
0xb3: {  	_ =	task.clear_ibuf [dreg:s7], $0x7FFFF;
	_ =	strace $0x9000004C  }
0xb4: {  	s29 =	simm.s32 $0x9;
	_ =	strace $0x8000004E  }
0xb5: {  	_ =	swait.ge [sflag:s29], $0x1  }
0xb6: {  	[sflag:s29] =	ssyncadd.s32 $0xFFFFFFFF  }
0xb7: {  	_ =	strace $0x9000004E  }
0xb8: {  	_ =	sfence  }
0xb9: {  	s30 =	sld [smem:$0x0];
	_ =	sdelay $0x2  }
0xba: {  	s31 =	sshll.u32 s1, $0xD;
	s1 =	sshrl.u32 s1, $0x2  }
0xbb: {  	s3 =	sand.u32 $0x4000, s31;
	s1 =	sadd.s32 s1, s30  }
0xbc: {  	s0 =	sor.u32 s3, s0;
	s1 =	sshll.u32 s1, $0x11  }
0xbd: {  	s0 =	sor.u32 s1, s0  }
0xbe: {  	s0 =	sadd.s32 $0x8F2B, s0  }
0xbf: {  	[sflag:s0] =	ssyncadd.remote.s32 $0x1  }
0xc0: {  	_ =	sfence.sel $0xFFFF  }
0xc1: {  	[dreg:$0x0] =	wrdreg $0xFFFFFFFF;
	(pc) =	sbr.abs _section_cstart, $3  }
0xc2: {  	[dreg:$0x1] =	wrdreg $0xFFFFFFFF  }
0xc3: {  	_ =	task.clear_ibuf [dreg:s7], $0x2FFFF;
	_ =	strace $0x9FFFFFFF  }
0xc4: {  	(tm) =	ssettm $0x7FFFFFFF  }
0xc5: {  	_ =	shalt  }
tec
execute0_lowered:
.L_overlay_start_1:
0x0: {  	(tag) =	ssettag $0x1  }
0x1: {  	s6 =	rddreg [dreg:$0x0]  }
0x2: {  	s0 =	rddreg [dreg:$0x1]  }
0x3: {  	s1 =	rddreg [dreg:$0x2];
	s2 =	srdreg.scid  }
0x4: {  	s10 =	stileid.u32;
	s3 =	rddreg [dreg:$0x3]  }
0x5: {  	s4 =	simm.s32 $0x0;
	s12 =	simm.s32 $0x2;
	s13 =	simm.s32 $0x2780  }
0x6: {  	s14 =	simm.s32 $0x4F00;
	s15 =	simm.s32 $0x1;
	s16 =	simm.s32 $0x7680  }
0x7: {  	s17 =	simm.s32 $0x9E00;
	s5 =	sand.u32 $0x1, s2;
	s7 =	sshll.u32 s10, $0x1  }
0x8: {  	s18 =	simm.s32 $0x0;
	s2 =	rddreg [dreg:$0x4];
	s7 =	sor.u32 s5, s7  }
0x9: {  	[smem:$0x7FF] =	sst s4;
	p0 =	sne.s32 s10, $0x0;
	s7 =	smul.u32 $0x4F0, s7  }
0xa: {  	_ =	strace $0x8000004D;
	s8 =	ssub.s32 $0x2, s5;
	s5 =	sadd.s32 $0xAC00, s6  }
0xb: {  	s10 =	sshrl.u32 @!p0 s1, $0x3;
	s31 =	sshrl.u32 s8, $0x1;
	s9 =	sadd.s32 s7, s6  }
0xc: {  	s11 =	ssub.s32 s8, s31;
	s6 =	sadd.s32 $0x1E800, s9;
	s7 =	sadd.s32 $0xE00, s9  }
0xd: {  	s8 =	sadd.s32 $0xB200, s9;
	s9 =	smax.u32 s11, $0x1;
	s11 =	sshrl.u32 @!p0 s3, $0x3  }
.LBB2_1:
0xe: {  	s19 =	simm.s32 @!p0 $0x1C02;
	s20 =	simm.s32 @!p0 $0x2  }
0xf: {  	[spmem:s10], [sflag:s19] =	dma.local @!p0 [hbm:s5], $0x500  }
0x10: {  	_ =	swait.ge @!p0 [sflag:s20], $0x500  }
0x11: {  	[sflag:s20] =	ssyncset.done @!p0 $0x0  }
0x12: {  	[sflag:s20] =	ssyncadd.s32 @!p0 $0xFFFFFB00  }
0x13: {  	[spmem:s11], [sflag:s19] =	dma.local @!p0 [hbm:s0], $0x500  }
0x14: {  	_ =	swait.ge @!p0 [sflag:s20], $0x500  }
0x15: {  	[sflag:s20] =	ssyncset.done @!p0 $0x0  }
0x16: {  	[sflag:s20] =	ssyncadd.s32 @!p0 $0xFFFFFB00  }
0x17: {  	[tilespmem:s4], [sflag:$0x2] =	stream.linear.gather [hbm4b:s6+s4], $0x2780, $0x38;
	[tilespmem:$0xCA80] =	vst v63  }
0x18: {  	_ =	swait.ge [sflag:s12], $0x2780  }
0x19: {  	[sflag:s12] =	ssyncset.done $0x0  }
0x1a: {  	[sflag:s12] =	ssyncadd.s32 $0xFFFFD880  }
0x1b: {  	[tilespmem:s13], [sflag:$0x2] =	stream.linear.gather [hbm4b:s7+s4], $0x2780, $0x38;
	[tilespmem:$0xCA80] =	vst v63  }
0x1c: {  	_ =	swait.ge [sflag:s12], $0x2780  }
0x1d: {  	[sflag:s12] =	ssyncset.done $0x0  }
0x1e: {  	[sflag:s12] =	ssyncadd.s32 $0xFFFFD880  }
0x1f: {  	[bflag:$0x0] =	sbarrier.arrive $0xFFFF  }
0x20: {  	[tilespmem:s14], [sflag:$0x1] =	stream.indirect.gather [spmem:s1], $0x1, s4, s13, $0xb8;
	[tilespmem:$0xCA80] =	vst v63  }
0x21: {  	_ =	swait.ge [sflag:s15], $0x2780  }
0x22: {  	[sflag:s15] =	ssyncset.done $0x0  }
0x23: {  	[sflag:s15] =	ssyncadd.s32 $0xFFFFD880  }
0x24: {  	[tilespmem:s16], [sflag:$0x1] =	stream.indirect.gather [spmem:s3], $0x1, s13, s13, $0xb8;
	[tilespmem:$0xCA80] =	vst v63  }
0x25: {  	_ =	swait.ge [sflag:s15], $0x2780  }
0x26: {  	[sflag:s15] =	ssyncset.done $0x0  }
0x27: {  	s19 =	simm.s32 $0x0;
	[sflag:s15] =	ssyncadd.s32 $0xFFFFD880  }
0x28: {  	v0 =	vld [tilespmem:s19+$0x4F00]  }
0x29: {  	v1 =	vld [tilespmem:s19+$0x7680];
	_ =	sdelay $0x4  }
0x2a: {  	s20 =	simm.s32 $0x10;
	v0 =	vadd.f32 v1, v0  }
0x2b: {  	v2 =	vld [tilespmem:s20+$0x7680]  }
0x2c: {  	v1 =	vld [tilespmem:s20+$0x4F00];
	v0 =	vsub.f32 $0.0e+00, v0;
	_ =	sdelay $0x1  }
0x2d: {  	s21 =	simm.s32 $0x20;
	v0 =	vmul.f32 $1.442695020e+00, v0  }
0x2e: {  	v3 =	vld [tilespmem:s21+$0x4F00]  }
0x2f: {  	(erf) = vpow2.f32 v0;
	v0 =	vld [tilespmem:s21+$0x7680]  }
0x30: {  	v1 =	vadd.f32 v2, v1;
	_ =	sdelay $0x1  }
0x31: {  	v1 =	vsub.f32 $0.0e+00, v1;
	_ =	sdelay $0x1  }
0x32: {  	s22 =	simm.s32 $0x30;
	v1 =	vmul.f32 $1.442695020e+00, v1;
	v0 =	vadd.f32 v0, v3  }
0x33: {  	v2 =	vld [tilespmem:s22+$0x4F00]  }
0x34: {  	(erf) = vpow2.f32 v1;
	v1 =	vld [tilespmem:s22+$0x7680];
	v0 =	vsub.f32 $0.0e+00, v0;
	_ =	sdelay $0x1  }
0x35: {  	v3 =	vpop (erf);
	v0 =	vmul.f32 $1.442695020e+00, v0  }
0x36: {  	s23 =	simm.s32 $0x40;
	v3 =	vadd.f32 $1.000000000e+00, v3  }
0x37: {  	v4 =	vld [tilespmem:s23+$0x4F00];
	(erf) = vpow2.f32 v0  }
0x38: {  	v1 =	vadd.f32 v1, v2;
	v0 =	vld [tilespmem:s23+$0x7680];
	(erf) = vrcp.f32 v3;
	_ =	sdelay $0x1  }
0x39: {  	v1 =	vsub.f32 $0.0e+00, v1;
	_ =	sdelay $0x1  }
0x3a: {  	v2 =	vpop (erf);
	v1 =	vmul.f32 $1.442695020e+00, v1  }
0x3b: {  	s24 =	simm.s32 $0x50;
	v2 =	vadd.f32 $1.000000000e+00, v2;
	v0 =	vadd.f32 v0, v4  }
0x3c: {  	(erf) = vpow2.f32 v1;
	v1 =	vld [tilespmem:s24+$0x7680]  }
0x3d: {  	(erf) = vrcp.f32 v2;
	v3 =	vsub.f32 $0.0e+00, v0;
	v0 =	vld [tilespmem:s24+$0x4F00]  }
0x3e: {  	v4 =	vpop (erf)  }
0x3f: {  	s25 =	simm.s32 $0x180;
	v3 =	vmul.f32 $1.442695020e+00, v3;
	v2 =	vpop (erf)  }
.LBB2_2:
0x40: {  	s26 =	sshra.s32 s25, $0x2  }
0x41: {  	v4 =	vadd.f32 $1.000000000e+00, v4;
	[tilespmem:s19+$0x9E00] =	vst v2;
	s19 =	smov.u32 s20;
	s20 =	smov.u32 s21;
	p1 =	sne.s32 s25, $0x9DC0  }
.Ltmp0:
0x42: {  	s21 =	smov.u32 s22;
	s22 =	smov.u32 s23;
	v2 =	vadd.f32 v1, v0;
	v0 =	vld [tilespmem:s26+$0x4F00];
	(erf) = vpow2.f32 v3;
	(pc) =	sbr.rel @p1 .LBB2_2-.Ltmp0, $4  }
0x43: {  	s25 =	sadd.s32 $0x40, s25;
	s23 =	smov.u32 s24;
	v1 =	vld [tilespmem:s26+$0x7680];
	(erf) = vrcp.f32 v4  }
0x44: {  	s24 =	smov.u32 s26;
	v5 =	vsub.f32 $0.0e+00, v2  }
0x45: {  	v4 =	vpop (erf)  }
0x46: {  	v3 =	vmul.f32 $1.442695020e+00, v5;
	v2 =	vpop (erf)  }
0x47: {  	_ = 	snop  }
0x48: {  	v0 =	vadd.f32 v1, v0;
	_ =	sdelay $0x1  }
0x49: {  	v0 =	vsub.f32 $0.0e+00, v0  }
0x4a: {  	v56 =	vadd.f32 $1.000000000e+00, v4  }
0x4b: {  	(erf) = vpow2.f32 v3;
	v0 =	vmul.f32 $1.442695020e+00, v0  }
0x4c: {  	(erf) = vrcp.f32 v56  }
0x4d: {  	(erf) = vpow2.f32 v0;
	_ =	sdelay $0x4  }
0x4e: {  	v57 =	vpop (erf)  }
0x4f: {  	v58 =	vpop (erf)  }
0x50: {  	v3 =	vpop (erf)  }
0x51: {  	v0 =	vadd.f32 $1.000000000e+00, v57;
	v59 =	vpop (erf)  }
0x52: {  	v3 =	vadd.f32 $1.000000000e+00, v3;
	v5 =	vpop (erf)  }
0x53: {  	(erf) = vrcp.f32 v0;
	v60 =	vadd.f32 $1.000000000e+00, v5  }
0x54: {  	(erf) = vrcp.f32 v3  }
0x55: {  	(erf) = vrcp.f32 v60;
	_ =	sdelay $0x4  }
0x56: {  	[tilespmem:s19+$0x9E00] =	vst v2  }
0x57: {  	[tilespmem:s20+$0x9E00] =	vst v58  }
0x58: {  	[tilespmem:s21+$0x9E00] =	vst v59;
	v61 =	vpop (erf)  }
0x59: {  	s18 =	sadd.s32 $0x1, s18;
	[tilespmem:s22+$0x9E00] =	vst v61;
	v62 =	vpop (erf)  }
0x5a: {  	p1 =	sne.s32 s18, s9;
	[tilespmem:s23+$0x9E00] =	vst v62;
	v63 =	vpop (erf)  }
.Ltmp1:
0x5b: {  	[tilespmem:s24+$0x9E00] =	vst v63;
	(pc) =	sbr.rel @p1 .LBB2_1-.Ltmp1, $4  }
0x5c: {  	[hbm4b:s8+s4] =	stream.linear.scatter [tilespmem:s17], [sflag:$0x2], $0x2780, $0x38;
	[tilespmem:$0xCA80] =	vst v63  }
0x5d: {  	_ =	swait.ge [sflag:s12], $0x2780  }
0x5e: {  	[sflag:s12] =	ssyncset.done $0x0  }
0x5f: {  	[sflag:s12] =	ssyncadd.s32 $0xFFFFD880  }
0x60: {  	_ =	sfence.sel $0x180000  }
0x61: {  	[bflag:$0x0] =	sbarrier.arrive $0xFFFF  }
0x62: {  	_ =	strace $0x9000004D  }
0x63: {  	s0 =	sadd.s32 @!p0 $0x100000, s2;
	[bflag:$0x2] =	sbarrier.arrive $0xFFFF  }
0x64: {  	[sflag:s0] =	ssyncadd.tile.s32 @!p0 $0x1;
	_ =	shalt  }
.Lfunc_end2:
_tile_overlayer_lowered:
.L_overlay_start_2:
0x65: {  	(tag) =	ssettag $0x2  }
0x66: {  	s0 =	rddreg [dreg:$0x0];
	s2 =	stileid.u32  }
0x67: {  	s1 =	rddreg [dreg:$0x1];
	p0 =	sne.s32 s2, $0x0  }
0x68: {  	s3 =	rddreg [dreg:$0x2];
	[bflag:$0x3] =	sbarrier.arrive $0xFFFF;
	s2 =	simm.s32 @!p0 $0x1C02  }
0x69: {  	[timem:s3], [sflag:s2] =	dma.local @!p0 [hbm:s0], s1  }
0x6a: {  	s0 =	simm.s32 @!p0 $0x2  }
0x6b: {  	_ =	swait.ge @!p0 [sflag:s0], s1  }
0x6c: {  	s1 =	ssub.s32 @!p0 $0x0, s1;
	[sflag:s0] =	ssyncset.done @!p0 $0x0  }
0x6d: {  	[sflag:s0] =	ssyncadd.s32 @!p0 s1  }
0x6e: {  	[bflag:$0x3] =	sbarrier.arrive $0xFFFF  }
0x6f: {  	_ =	shalt  }

// kernel: kernel.7.cloned.1.call-start
scs
__scs_entry_jumppad:
0x0: {  	(pc) =	sbr.rel $0x88, $3  }
0x1: {  	(tag) =	ssettag $0x0;
	lr =	simm.s32 $0x1  }
0x2: {  	[smem:$0x3F99] =	sst lr;
	_ =	strace $0xD0000000  }
0x3: {  	_ = 	snop  }
0x4: {  	_ = 	snop  }
0x5: {  	_ = 	snop  }
0x6: {  	_ = 	snop  }
0x7: {  	_ = 	snop  }
__scs_overlays_trampoline_lowered:
0x8: {  	[smem:$0x3FA8] =	sst s0  }
0x9: {  	[smem:$0x3FA9] =	sst s1  }
0xa: {  	[smem:$0x3FAA] =	sst s2  }
0xb: {  	[smem:$0x3FAB] =	sst s3  }
0xc: {  	[smem:$0x3FAC] =	sst s4  }
0xd: {  	[smem:$0x3FAD] =	sst s5  }
0xe: {  	[smem:$0x3FAE] =	sst s6  }
0xf: {  	[smem:$0x3FAF] =	sst s7  }
0x10: {  	[smem:$0x3FB0] =	sst s8  }
0x11: {  	[smem:$0x3FB1] =	sst s9;
	s0 =	simm.s32 @!p0 $0x0  }
0x12: {  	s1 =	sld [smem:$0x3F97];
	s0 =	simm.s32 @p0 $0x1  }
0x13: {  	[smem:$0x3FB2] =	sst s0;
	s0 =	simm.s32 @!p1 $0x0  }
0x14: {  	s2 =	sld [smem:$0x3F96];
	s0 =	simm.s32 @p1 $0x1  }
0x15: {  	[smem:$0x3FB3] =	sst s0;
	s0 =	simm.s32 @!p2 $0x0  }
0x16: {  	s3 =	sld [smem:$0x3FDB];
	s0 =	simm.s32 @p2 $0x1  }
0x17: {  	s4 =	simm.s32 $0x1BF5;
	[smem:$0x3FB5] =	sst s0  }
0x18: {  	s0 =	sld [smem:$0x3F98];
	_ =	swait.ge [sflag:s4], $0x0  }
0x19: {  	s7 =	sld [smem:$0x3F99]  }
0x1a: {  	s8 =	sadd.s32 $0xFFFFE003, lr  }
0x1b: {  	s9 =	sadd.s32 $0xFFFFFEF7, lr;
	s5 =	simm.s32 $0xFFFFFFFF;
	p2 =	slt.u32 s8, $0xFFFFF086  }
0x1c: {  	p1 =	slt.u32 s9, $0xF7A;
	s5 =	simm.s32 @!p2 $0x0  }
0x1d: {  	s5 =	simm.s32 @p1 $0x1;
	p0 =	seq.s32 s7, s2  }
0x1e: {  	s7 =	smul.u32 @!p0 $0xF7A, s2;
	p2 =	seq.s32 @!p0 s5, $0x0  }
0x1f: {  	s9 =	smul.u32 $0xF7A, s1;
	s8 =	simm.s32 @!p0 $0x1BF5;
	p2 =	por !p2, p0  }
0x20: {  	[sflag:s8] =	ssyncset.s32 @!p0 $0xFFFFF086;
	s6 =	sadd.s32 @!p0 s3, s7;
	s7 =	simm.s32 @!p0 $0x108  }
0x21: {  	s3 =	sadd.s32 s3, s9;
	s6 =	sadd.s32 @!p0 $0x88, s6;
	s7 =	simm.s32 @p2 $0x1082  }
0x22: {  	[simem:s7], [sflag:s8] =	dma.local @!p0 [hbm:s6], $0xF7A  }
0x23: {  	s9 =	sor.u32 $0xD0000000, s2;
	s6 =	simm.s32 $0x108;
	_ =	swait.ge @!p0 [sflag:s8], $0x0  }
0x24: {  	s3 =	sadd.s32 $0x88, s3;
	s6 =	simm.s32 @!p1 $0x1082;
	[sflag:s4] =	ssyncset.s32 $0xFFFFF086  }
0x25: {  	[simem:s6], [sflag:s4] =	dma.local [hbm:s3], $0xF7A  }
0x26: {  	[smem:$0x3F99] =	sst s1;
	(tag) =	ssettag s2;
	_ =	strace s9  }
0x27: {  	s1 =	sld [smem:$0x3FA9]  }
0x28: {  	s2 =	sld [smem:$0x3FAA]  }
0x29: {  	s4 =	sld [smem:$0x3FAC]  }
0x2a: {  	p0 =	seq.s32 s5, $0x0;
	s5 =	sld [smem:$0x3FAD]  }
0x2b: {  	s6 =	sld [smem:$0x3FAE]  }
0x2c: {  	s7 =	sld [smem:$0x3FAF]  }
0x2d: {  	s3 =	simm.s32 $0x108;
	s8 =	sld [smem:$0x3FB0]  }
0x2e: {  	s3 =	simm.s32 @!p0 $0x1082;
	s9 =	sld [smem:$0x3FB1]  }
0x2f: {  	lr =	sadd.s32 s0, s3;
	s0 =	sld [smem:$0x3FA8]  }
0x30: {  	s3 =	sld [smem:$0x3FAB]  }
0x31: {  	[smem:$0x3FB4] =	sst s10  }
0x32: {  	s10 =	sld [smem:$0x3FB2];
	_ =	sdelay $0x3  }
0x33: {  	p0 =	seq.s32 s10, $0x1;
	s10 =	sld [smem:$0x3FB4];
	_ =	sdelay $0x3  }
0x34: {  	[smem:$0x3FB4] =	sst s10  }
0x35: {  	s10 =	sld [smem:$0x3FB3];
	_ =	sdelay $0x3  }
0x36: {  	p1 =	seq.s32 s10, $0x1;
	s10 =	sld [smem:$0x3FB4];
	_ =	sdelay $0x3  }
0x37: {  	[smem:$0x3FB4] =	sst s10  }
0x38: {  	s10 =	sld [smem:$0x3FB5]  }
0x39: {  	_ = 	snop;
	(pc) =	sbr.ind lr, $3  }
0x3a: {  	_ = 	snop  }
0x3b: {  	_ = 	snop  }
0x3c: {  	p2 =	seq.s32 s10, $0x1;
	s10 =	sld [smem:$0x3FB4]  }
0x3d: {  	_ =	shalt  }
0x3e: {  	_ =	shalt  }
0x3f: {  	_ =	shalt  }
0x40: {  	_ =	shalt  }
0x41: {  	_ =	shalt  }
0x42: {  	_ =	shalt  }
0x43: {  	_ =	shalt  }
0x44: {  	_ =	shalt  }
0x45: {  	_ =	shalt  }
0x46: {  	_ =	shalt  }
0x47: {  	_ =	shalt  }
0x48: {  	_ =	shalt  }
0x49: {  	_ =	shalt  }
0x4a: {  	_ =	shalt  }
0x4b: {  	_ =	shalt  }
0x4c: {  	_ =	shalt  }
0x4d: {  	_ =	shalt  }
0x4e: {  	_ =	shalt  }
0x4f: {  	_ =	shalt  }
0x50: {  	_ =	shalt  }
0x51: {  	_ =	shalt  }
0x52: {  	_ =	shalt  }
0x53: {  	_ =	shalt  }
0x54: {  	_ =	shalt  }
0x55: {  	_ =	shalt  }
0x56: {  	_ =	shalt  }
0x57: {  	_ =	shalt  }
0x58: {  	_ =	shalt  }
0x59: {  	_ =	shalt  }
0x5a: {  	_ =	shalt  }
0x5b: {  	_ =	shalt  }
0x5c: {  	_ =	shalt  }
0x5d: {  	_ =	shalt  }
0x5e: {  	_ =	shalt  }
0x5f: {  	_ =	shalt  }
0x60: {  	_ =	shalt  }
0x61: {  	_ =	shalt  }
0x62: {  	_ =	shalt  }
0x63: {  	_ =	shalt  }
0x64: {  	_ =	shalt  }
0x65: {  	_ =	shalt  }
0x66: {  	_ =	shalt  }
0x67: {  	_ =	shalt  }
0x68: {  	_ =	shalt  }
0x69: {  	_ =	shalt  }
0x6a: {  	_ =	shalt  }
0x6b: {  	_ =	shalt  }
0x6c: {  	_ =	shalt  }
0x6d: {  	_ =	shalt  }
0x6e: {  	_ =	shalt  }
0x6f: {  	_ =	shalt  }
0x70: {  	_ =	shalt  }
0x71: {  	_ =	shalt  }
0x72: {  	_ =	shalt  }
0x73: {  	_ =	shalt  }
0x74: {  	_ =	shalt  }
0x75: {  	_ =	shalt  }
0x76: {  	_ =	shalt  }
0x77: {  	_ =	shalt  }
0x78: {  	_ =	shalt  }
0x79: {  	_ =	shalt  }
0x7a: {  	_ =	shalt  }
0x7b: {  	_ =	shalt  }
0x7c: {  	_ =	shalt  }
0x7d: {  	_ =	shalt  }
0x7e: {  	_ =	shalt  }
0x7f: {  	_ =	shalt  }
0x80: {  	_ =	shalt  }
0x81: {  	_ =	shalt  }
0x82: {  	_ =	shalt  }
0x83: {  	_ =	shalt  }
0x84: {  	_ =	shalt  }
0x85: {  	_ =	shalt  }
0x86: {  	_ =	shalt  }
0x87: {  	_ =	shalt  }
.Lfunc_end0:
.L_simem_size_0:
called_computation_lowered:
.L_overlay_start_0:
0x88: {  	s2 =	sld [smem:$0x3FD9]  }
0x89: {  	s3 =	sld [smem:$0x3FFE];
	_ =	sdelay $0x1  }
0x8a: {  	s1 =	srdreg.scid  }
0x8b: {  	s0 =	sand.u32 $0x1, s1  }
0x8c: {  	s16 =	sshll.u32 s0, $0xA;
	s2 =	sadd.s32 s3, s2  }
0x8d: {  	s2 =	sadd.s32 s2, s16  }
0x8e: {  	[smem:$0x3FC0] =	sst s2  }
0x8f: {  	_ = 	snop  }
0x90: {  	(tm) =	ssettm $0x1  }
0x91: {  	s17 =	sld [smem:$0x3FFB];
	_ =	sdelay $0x3  }
0x92: {  	_ =	strace s17  }
0x93: {  	s2 =	sld [smem:$0x3FFC];
	_ =	sdelay $0x3  }
0x94: {  	_ =	strace s2  }
0x95: {  	s2 =	sld [smem:$0x3FFD];
	_ =	sdelay $0x3  }
0x96: {  	_ =	strace s2  }
0x97: {  	_ =	strace $0x8FFFFFFF  }
0x98: {  	s18 =	sld [smem:$0x3FDB];
	_ =	sdelay $0x1  }
0x99: {  	s19 =	simm.s32 $_scs_section_size  }
0x9a: {  	s4 =	simm.s32 $_size__tile_overlayer_lowered;
	s5 =	simm.s32 $_tile_overlayer_lowered  }
0x9b: {  	s22 =	simm.s32 $0x1BFF;
	s21 =	sshll.u32 s5, $0x1;
	s2 =	sadd.s32 s19, s18  }
0x9c: {  	s6 =	simm.s32 $0x0;
	s20 =	sshll.u32 s4, $0x1;
	s4 =	sadd.s32 s21, s2  }
0x9d: {  	[timem:s6], [sflag:s22] =	dma.local [hbm:s4], s20  }
0x9e: {  	_ =	swait.ge [sflag:s22], s20  }
0x9f: {  	s3 =	ssub.s32 $0x0, s20;
	[sflag:s22] =	ssyncset.done $0x0  }
0xa0: {  	[sflag:s22] =	ssyncadd.s32 s3;
	_ =	sdelay $0x1  }
0xa1: {  	s23 =	simm.s32 $0x1B8B  }
0xa2: {  	_ =	swait.ge [sflag:s23], $0x1  }
0xa3: {  	[sflag:s23] =	ssyncset.done $0x0  }
0xa4: {  	s25 =	simm.s32 $0x1B8E;
	s24 =	sld [smem:$0x3FFE];
	[sflag:s23] =	ssyncadd.s32 $0xFFFFFFFF  }
0xa5: {  	s26 =	simm.s32 $execute0_lowered;
	[smem:$0x3FD2] =	sst s25  }
0xa6: {  	s4 =	sshll.u32 s26, $0x1;
	_ =	strace $0x80000046;
	[dreg:$0x1] =	wrdreg $0xFFFFFFFF  }
0xa7: {  	s28 =	simm.s32 $_size_execute0_lowered;
	s2 =	sadd.s32 s2, s4;
	[dreg:$0x0] =	wrdreg $0x0  }
0xa8: {  	s4 =	sshll.u32 s28, $0x1;
	[dreg:$0x2] =	wrdreg s2  }
0xa9: {  	[dreg:$0x3] =	wrdreg s4  }
0xaa: {  	[dreg:$0x4] =	wrdreg $0xC0  }
0xab: {  	_ =	task [dreg:s6], $0x5FFFF  }
0xac: {  	[dreg:$0x1] =	wrdreg $0xFFFFFFFF  }
0xad: {  	[dreg:$0x0] =	wrdreg $0x60  }
0xae: {  	[dreg:$0x2] =	wrdreg s24  }
0xaf: {  	[dreg:$0x3] =	wrdreg $0x11E000  }
0xb0: {  	[dreg:$0x4] =	wrdreg $0x9  }
0xb1: {  	_ =	task.clear_ibuf [dreg:s6], $0x5FFFF;
	_ =	strace $0x90000046  }
0xb2: {  	s29 =	simm.s32 $0x9;
	_ =	strace $0x80000048  }
0xb3: {  	_ =	swait.ge [sflag:s29], $0x1  }
0xb4: {  	[sflag:s29] =	ssyncadd.s32 $0xFFFFFFFF  }
0xb5: {  	_ =	strace $0x90000048  }
0xb6: {  	_ =	sfence  }
0xb7: {  	s30 =	sld [smem:$0x0];
	_ =	sdelay $0x2  }
0xb8: {  	s31 =	sshll.u32 s1, $0xD;
	s1 =	sshrl.u32 s1, $0x2  }
0xb9: {  	s3 =	sand.u32 $0x4000, s31;
	s1 =	sadd.s32 s1, s30  }
0xba: {  	s0 =	sor.u32 s3, s0;
	s1 =	sshll.u32 s1, $0x11  }
0xbb: {  	s0 =	sor.u32 s1, s0  }
0xbc: {  	s0 =	sadd.s32 $0x8F2B, s0  }
0xbd: {  	[sflag:s0] =	ssyncadd.remote.s32 $0x1  }
0xbe: {  	_ =	sfence.sel $0xFFFF  }
0xbf: {  	[dreg:$0x0] =	wrdreg $0xFFFFFFFF;
	(pc) =	sbr.abs _section_cstart, $3  }
0xc0: {  	[dreg:$0x1] =	wrdreg $0xFFFFFFFF  }
0xc1: {  	_ =	task.clear_ibuf [dreg:s6], $0x2FFFF;
	_ =	strace $0x9FFFFFFF  }
0xc2: {  	(tm) =	ssettm $0x7FFFFFFF  }
0xc3: {  	_ =	shalt  }
tec
execute0_lowered:
.L_overlay_start_1:
0x0: {  	(tag) =	ssettag $0x1  }
0x1: {  	s5 =	rddreg [dreg:$0x0]  }
0x2: {  	s2 =	rddreg [dreg:$0x1]  }
0x3: {  	s0 =	rddreg [dreg:$0x2]  }
0x4: {  	s1 =	stileid.u32;
	s4 =	srdreg.scid  }
0x5: {  	s3 =	simm.s32 $0x0;
	s15 =	simm.s32 $0x9E00;
	s6 =	smul.u32 $0x1480, s1  }
0x6: {  	s16 =	simm.s32 $0xDE00;
	s17 =	simm.s32 $0x1;
	s7 =	smul.u32 $0x4F00, s1  }
0x7: {  	s18 =	simm.s32 $0x2;
	s19 =	simm.s32 $0x3;
	s24 =	smul.u32 $0x1400, s1  }
0x8: {  	s21 =	simm.s32 $0x0;
	s8 =	sand.u32 $0x1, s4;
	s25 =	smul.u32 $0x29000, s1  }
0x9: {  	[smem:$0x7FF] =	sst s3;
	s4 =	sadd.s32 $0x28600, s5;
	s29 =	smul.u32 $0x28000, s1  }
0xa: {  	s30 =	sshll.u32 s1, $0x6;
	s9 =	smul.u32 $0x4F000, s8;
	_ =	strace $0x80000047  }
0xb: {  	s10 =	smul.u32 $0x14000, s8;
	s8 =	ssub.s32 $0x2, s8;
	s11 =	sshrl.u32 s7, $0x3  }
0xc: {  	s6 =	sadd.s32 s6, s5;
	s26 =	sshrl.u32 s8, $0x1;
	s28 =	sshrl.u32 s25, $0x2  }
0xd: {  	s31 =	sshrl.u32 s29, $0x2;
	s7 =	sadd.s32 s7, s9;
	s11 =	sadd.s32 s11, s5  }
0xe: {  	s9 =	sadd.s32 s24, s10;
	s13 =	ssub.s32 s8, s26;
	s14 =	sadd.s32 s28, s2  }
0xf: {  	s20 =	sadd.s32 s31, s2;
	s7 =	sshrl.u32 s7, $0x3;
	s9 =	sadd.s32 s9, s5  }
0x10: {  	s10 =	smax.u32 s13, $0x1;
	s13 =	simm.s32 $0x4F00;
	s20 =	sshrl.u32 s20, $0x3  }
0x11: {  	s12 =	sadd.s32 s7, s5;
	s5 =	sadd.s32 $0x50600, s6;
	s6 =	sor.u32 $0x1C04, s30  }
0x12: {  	s7 =	sadd.s32 $0x1E800, s11;
	s9 =	sadd.s32 $0x78600, s9;
	s11 =	sshrl.u32 s14, $0x3  }
0x13: {  	s14 =	simm.s32 $0x80;
	s8 =	sadd.s32 $0xAC00, s12;
	s12 =	simm.s32 $0x4  }
.LBB2_1:
0x14: {  	[spmem:s11], [sflag:s6] =	dma.local [hbm:s5], $0x1480  }
0x15: {  	_ =	swait.ge [sflag:s12], $0x1480  }
0x16: {  	[sflag:s12] =	ssyncset.done $0x0  }
0x17: {  	[sflag:s12] =	ssyncadd.s32 $0xFFFFEB80  }
0x18: {  	[tilespmem:s3], [sflag:$0x4] =	stream.linear.gather [hbm4b:s7+s3], $0x4F00, $0x38;
	[tilespmem:$0x1C200] =	vst v63  }
0x19: {  	_ =	swait.ge [sflag:s12], $0x4F00  }
0x1a: {  	[sflag:s12] =	ssyncset.done $0x0  }
0x1b: {  	[sflag:s12] =	ssyncadd.s32 $0xFFFFB100  }
0x1c: {  	[tilespmem:s13], [sflag:$0x4] =	stream.linear.gather [hbm4b:s8+s3], $0x4F00, $0x38;
	[tilespmem:$0x1C200] =	vst v63  }
0x1d: {  	_ =	swait.ge [sflag:s12], $0x4F00  }
0x1e: {  	[sflag:s12] =	ssyncset.done $0x0  }
0x1f: {  	[sflag:s12] =	ssyncadd.s32 $0xFFFFB100  }
0x20: {  	s22 =	simm.s32 $0x0;
	[bflag:$0x0] =	sbarrier.arrive $0xFFFF  }
0x21: {  	[tilespmem:s15], [sflag:$0x1] =	stream.indirect.gather [hbm4b:s4+s14], $0x80, s22, s14, $0xb8;
	[tilespmem:$0x1C200] =	vst v63  }
0x22: {  	s29 =	simm.s32 $0x80  }
0x23: {  	[tilespmem:s16], [sflag:$0x2] =	stream.indirect.gather [hbm4b:s4+s14], $0x80, s29, s14, $0xb8;
	[tilespmem:$0x1C200] =	vst v63  }
0x24: {  	_ =	swait.ge [sflag:s17], $0x4000  }
0x25: {  	[sflag:s17] =	ssyncset.done $0x0  }
0x26: {  	s30 =	simm.s32 $0x4F00;
	[sflag:s17] =	ssyncadd.s32 $0xFFFFC000  }
0x27: {  	[spmem:s2] =	stream.indirect.scatter.add.f32 [tilespmem:s15], [sflag:$0x3], $0x80, s30, s14, $0xb8;
	[tilespmem:$0x1C200] =	vst v63  }
0x28: {  	_ =	swait.ge [sflag:s18], $0x4000  }
0x29: {  	[sflag:s18] =	ssyncset.done $0x0  }
0x2a: {  	[sflag:s18] =	ssyncadd.s32 $0xFFFFC000  }
0x2b: {  	_ =	swait.ge [sflag:s19], $0x4000  }
0x2c: {  	[sflag:s19] =	ssyncset.done $0x0  }
0x2d: {  	s31 =	simm.s32 $0x4F80;
	[sflag:s19] =	ssyncadd.s32 $0xFFFFC000  }
0x2e: {  	[spmem:s2] =	stream.indirect.scatter.add.f32 [tilespmem:s16], [sflag:$0x4], $0x80, s31, s14, $0xb8;
	[tilespmem:$0x1C200] =	vst v63  }
0x2f: {  	_ =	swait.ge [sflag:s12], $0x4000  }
0x30: {  	s23 =	simm.s32 $0x800;
	s22 =	simm.s32 $0x400;
	[sflag:s12] =	ssyncset.done $0x0  }
.LBB2_2:
0x31: {  	s24 =	sshra.s32 s22, $0x2  }
0x32: {  	[sflag:s12] =	ssyncadd.s32 $0xFFFFC000;
	s22 =	smov.u32 s23;
	s25 =	sadd.s32 $0x400, s23  }
0x33: {  	[tilespmem:s15], [sflag:$0x1] =	stream.indirect.gather [hbm4b:s4+s14], $0x80, s24, s14, $0xb8;
	[tilespmem:$0x1C200] =	vst v63  }
0x34: {  	p0 =	sne.s32 s23, $0x13800;
	s23 =	sadd.s32 $0x80, s24  }
0x35: {  	[tilespmem:s16], [sflag:$0x2] =	stream.indirect.gather [hbm4b:s4+s14], $0x80, s23, s14, $0xb8;
	[tilespmem:$0x1C200] =	vst v63  }
0x36: {  	_ =	swait.ge [sflag:s17], $0x4000  }
0x37: {  	[sflag:s17] =	ssyncset.done $0x0  }
0x38: {  	s23 =	sadd.s32 $0x4F00, s24;
	[sflag:s17] =	ssyncadd.s32 $0xFFFFC000  }
0x39: {  	[spmem:s2] =	stream.indirect.scatter.add.f32 [tilespmem:s15], [sflag:$0x3], $0x80, s23, s14, $0xb8;
	[tilespmem:$0x1C200] =	vst v63  }
0x3a: {  	_ =	swait.ge [sflag:s18], $0x4000  }
0x3b: {  	[sflag:s18] =	ssyncset.done $0x0  }
0x3c: {  	[sflag:s18] =	ssyncadd.s32 $0xFFFFC000  }
0x3d: {  	_ =	swait.ge [sflag:s19], $0x4000  }
.Ltmp0:
0x3e: {  	[sflag:s19] =	ssyncset.done $0x0;
	(pc) =	sbr.rel @p0 .LBB2_2-.Ltmp0, $4  }
0x3f: {  	s23 =	sadd.s32 $0x4F80, s24;
	[sflag:s19] =	ssyncadd.s32 $0xFFFFC000  }
0x40: {  	[spmem:s2] =	stream.indirect.scatter.add.f32 [tilespmem:s16], [sflag:$0x4], $0x80, s23, s14, $0xb8;
	[tilespmem:$0x1C200] =	vst v63  }
0x41: {  	_ =	swait.ge [sflag:s12], $0x4000  }
0x42: {  	s23 =	smov.u32 s25;
	[sflag:s12] =	ssyncset.done $0x0  }
0x43: {  	s22 =	sshra.s32 s22, $0x2;
	[sflag:s12] =	ssyncadd.s32 $0xFFFFC000  }
0x44: {  	[tilespmem:s15], [sflag:$0x1] =	stream.indirect.gather [hbm4b:s4+s14], $0x80, s22, s14, $0xb8;
	[tilespmem:$0x1C200] =	vst v63  }
0x45: {  	s23 =	sadd.s32 $0x80, s22  }
0x46: {  	[tilespmem:s16], [sflag:$0x2] =	stream.indirect.gather [hbm4b:s4+s14], $0x80, s23, s14, $0xb8;
	[tilespmem:$0x1C200] =	vst v63  }
0x47: {  	_ =	swait.ge [sflag:s17], $0x4000  }
0x48: {  	[sflag:s17] =	ssyncset.done $0x0  }
0x49: {  	s31 =	sadd.s32 $0x4F00, s22;
	[sflag:s17] =	ssyncadd.s32 $0xFFFFC000  }
0x4a: {  	[spmem:s2] =	stream.indirect.scatter.add.f32 [tilespmem:s15], [sflag:$0x3], $0x80, s31, s14, $0xb8;
	[tilespmem:$0x1C200] =	vst v63  }
0x4b: {  	_ =	swait.ge [sflag:s18], $0x4000  }
0x4c: {  	[sflag:s18] =	ssyncset.done $0x0  }
0x4d: {  	[sflag:s18] =	ssyncadd.s32 $0xFFFFC000  }
0x4e: {  	_ =	swait.ge [sflag:s19], $0x4000  }
0x4f: {  	[sflag:s19] =	ssyncset.done $0x0  }
0x50: {  	s22 =	sadd.s32 $0x4F80, s22;
	[sflag:s19] =	ssyncadd.s32 $0xFFFFC000  }
0x51: {  	[spmem:s2] =	stream.indirect.scatter.add.f32 [tilespmem:s16], [sflag:$0x4], $0x80, s22, s14, $0xb8;
	[tilespmem:$0x1C200] =	vst v63  }
0x52: {  	_ =	swait.ge [sflag:s12], $0x4000  }
0x53: {  	s21 =	sadd.s32 $0x1, s21;
	[sflag:s12] =	ssyncset.done $0x0  }
0x54: {  	p0 =	sne.s32 s21, s10;
	[sflag:s12] =	ssyncadd.s32 $0xFFFFC000  }
.Ltmp1:
0x55: {  	[bflag:$0x0] =	sbarrier.arrive $0xFFFF;
	(pc) =	sbr.rel @p0 .LBB2_1-.Ltmp1, $4  }
0x56: {  	[hbm:s9], [sflag:s6] =	dma.local [spmem:s20], $0x1400  }
0x57: {  	_ =	swait.ge [sflag:s12], $0x1400  }
0x58: {  	[sflag:s12] =	ssyncset.done $0x0  }
0x59: {  	[sflag:s12] =	ssyncadd.s32 $0xFFFFEC00  }
0x5a: {  	_ =	sfence.sel $0x180000  }
0x5b: {  	[bflag:$0x0] =	sbarrier.arrive $0xFFFF  }
0x5c: {  	p0 =	sne.s32 s1, $0x0;
	_ =	strace $0x90000047  }
0x5d: {  	s0 =	sadd.s32 @!p0 $0x100000, s0;
	[bflag:$0x2] =	sbarrier.arrive $0xFFFF  }
0x5e: {  	[sflag:s0] =	ssyncadd.tile.s32 @!p0 $0x1;
	_ =	shalt  }
.Lfunc_end2:
_tile_overlayer_lowered:
.L_overlay_start_2:
0x5f: {  	(tag) =	ssettag $0x2  }
0x60: {  	s0 =	rddreg [dreg:$0x0];
	s2 =	stileid.u32  }
0x61: {  	s1 =	rddreg [dreg:$0x1];
	p0 =	sne.s32 s2, $0x0  }
0x62: {  	s3 =	rddreg [dreg:$0x2];
	[bflag:$0x3] =	sbarrier.arrive $0xFFFF;
	s2 =	simm.s32 @!p0 $0x1C04  }
0x63: {  	[timem:s3], [sflag:s2] =	dma.local @!p0 [hbm:s0], s1  }
0x64: {  	s0 =	simm.s32 @!p0 $0x4  }
0x65: {  	_ =	swait.ge @!p0 [sflag:s0], s1  }
0x66: {  	s1 =	ssub.s32 @!p0 $0x0, s1;
	[sflag:s0] =	ssyncset.done @!p0 $0x0  }
0x67: {  	[sflag:s0] =	ssyncadd.s32 @!p0 s1  }
0x68: {  	[bflag:$0x3] =	sbarrier.arrive $0xFFFF  }
0x69: {  	_ =	shalt  }

</sc_bundles>
